<compile_context>
chip_gen: v7x
topology: tpu7x:2x2x1
jax: 0.10.2.dev20260603
libtpu: 0.0.44.dev20260713+nightly
codegen_flags: <defaults>
</compile_context>

<pallas_src>
import functools

import jax
import jax.numpy as jnp
from jax.experimental import pallas as pl
from jax.experimental.pallas import tpu as pltpu
from jax.experimental.pallas import tpu_sc as plsc

HD = 1024
ID = 512
NE = 64
CAP = 80
NSLOT = NE * CAP
TRASH = NSLOT
NT = 4096
TB = 512
EPS_GATE = 1e-6
EPS_BIT = 1e-8


def _rms(x, w, eps):
    return x * jax.lax.rsqrt(jnp.mean(x * x, axis=-1, keepdims=True) + eps) * w


def _ternary_bf16(w):
    m = jnp.sum(jnp.sum(jnp.abs(w), axis=0, keepdims=True), axis=1,
                keepdims=True) * (1.0 / (w.shape[0] * w.shape[1]))
    sw = 1.0 / jnp.clip(m, 1e-5, None)
    thr = 0.5 / sw
    r = 1.0 / sw
    q = jnp.where(w > thr, r, jnp.where(w < -thr, -r, 0.0))
    return q.astype(jnp.bfloat16)


def _bit_mlp(x, wg, ng, wd, nd):
    xn = _rms(x, ng, EPS_BIT)
    sx = 127.0 / jnp.clip(jnp.max(jnp.abs(xn), axis=-1, keepdims=True), 1e-5, None)
    xq = jnp.clip(jnp.round(xn * sx), -128.0, 127.0) / sx
    y = jax.lax.dot_general(
        xq.astype(jnp.bfloat16), _ternary_bf16(wg),
        (((1,), (1,)), ((), ())), preferred_element_type=jnp.float32)
    g = y[:, :ID]
    v = y[:, ID:]
    h = g * jax.nn.sigmoid(g) * v
    hn = _rms(h, nd, EPS_BIT)
    s2 = 127.0 / jnp.clip(jnp.max(jnp.abs(hn), axis=-1, keepdims=True), 1e-5, None)
    hq = jnp.clip(jnp.round(hn * s2), -128.0, 127.0) / s2
    return jax.lax.dot_general(
        hq.astype(jnp.bfloat16), _ternary_bf16(wd),
        (((1,), (1,)), ((), ())), preferred_element_type=jnp.float32)



def _router_body(x_ref, gnw_ref, gw_ref, dd0_ref, dd1_ref, dc0_ref, dc1_ref,
                 wt_ref, cnt_ref):
    step = pl.program_id(0)

    @pl.when(step == 0)
    def _():
        cnt_ref[...] = jnp.zeros_like(cnt_ref)

    x = x_ref[...]
    xn = x * jax.lax.rsqrt(jnp.mean(x * x, axis=-1, keepdims=True) + EPS_GATE)
    xn = xn * gnw_ref[...]
    logits = jax.lax.dot_general(
        xn.astype(jnp.bfloat16), gw_ref[...].astype(jnp.bfloat16),
        (((1,), (1,)), ((), ())),
        preferred_element_type=jnp.float32)
    m = jnp.max(logits, axis=-1, keepdims=True)
    p = jnp.exp(logits - m)
    p = p / jnp.sum(p, axis=-1, keepdims=True)

    idx = jax.lax.broadcasted_iota(jnp.int32, (TB, NE), 1)
    m1 = jnp.max(p, axis=-1, keepdims=True)
    i1 = jnp.min(jnp.where(p == m1, idx, NE), axis=-1, keepdims=True)
    o1 = idx == i1
    pm = jnp.where(o1, -1.0, p)
    m2 = jnp.max(pm, axis=-1, keepdims=True)
    i2 = jnp.min(jnp.where(pm == m2, idx, NE), axis=-1, keepdims=True)
    o2 = idx == i2

    a = (o1 | o2).astype(jnp.float32)
    c = a
    sh = 1
    while sh < TB:
        c = c + jnp.concatenate(
            [jnp.zeros((sh, NE), jnp.float32), c[:-sh]], axis=0)
        sh *= 2
    carry = cnt_ref[0:1, :]
    rank = carry + c - a
    r1 = jnp.sum(jnp.where(o1, rank, 0.0), axis=-1, keepdims=True)
    r2 = jnp.sum(jnp.where(o2, rank, 0.0), axis=-1, keepdims=True)
    in1 = r1 < CAP
    in2 = r2 < CAP
    d1 = i1 * CAP + r1.astype(jnp.int32)
    d2 = i2 * CAP + r2.astype(jnp.int32)
    tok = (jax.lax.broadcasted_iota(jnp.int32, (TB, 1), 0) + step * TB)
    dd0_ref[...] = jnp.where(in1, d1, TRASH + tok)[:, 0]
    dd1_ref[...] = jnp.where(in2, d2, TRASH + tok)[:, 0]
    dc0_ref[...] = jnp.where(in1, d1, tok)[:, 0]
    dc1_ref[...] = jnp.where(in2, d2, tok)[:, 0]
    wt_ref[...] = jnp.concatenate(
        [jnp.where(in1, m1, 0.0), jnp.where(in2, m2, 0.0)], axis=1)
    cnt_ref[0:1, :] = carry + jnp.sum(a, axis=0, keepdims=True)


def _router(xf, gnw, gw):
    return pl.pallas_call(
        _router_body,
        grid=(NT // TB,),
        in_specs=[
            pl.BlockSpec((TB, HD), lambda i: (i, 0)),
            pl.BlockSpec((1, HD), lambda i: (0, 0)),
            pl.BlockSpec((NE, HD), lambda i: (0, 0)),
        ],
        out_specs=[
            pl.BlockSpec((TB,), lambda i: (i,)),
            pl.BlockSpec((TB,), lambda i: (i,)),
            pl.BlockSpec((TB,), lambda i: (i,)),
            pl.BlockSpec((TB,), lambda i: (i,)),
            pl.BlockSpec((TB, 2), lambda i: (i, 0)),
        ],
        out_shape=[
            jax.ShapeDtypeStruct((NT,), jnp.int32),
            jax.ShapeDtypeStruct((NT,), jnp.int32),
            jax.ShapeDtypeStruct((NT,), jnp.int32),
            jax.ShapeDtypeStruct((NT,), jnp.int32),
            jax.ShapeDtypeStruct((NT, 2), jnp.float32),
        ],
        scratch_shapes=[pltpu.VMEM((8, NE), jnp.float32)],
    )(xf, gnw, gw)



def _expert_body(xg_ref, wg_ref, ng_ref, wd_ref, nd_ref, yg_ref):
    yg_ref[...] = _bit_mlp(
        xg_ref[...], wg_ref[0], ng_ref[0], wd_ref[0], nd_ref[0])


def _experts(xg, Wg, ng, Wd, nd):
    return pl.pallas_call(
        _expert_body,
        grid=(NE,),
        in_specs=[
            pl.BlockSpec((CAP, HD), lambda e: (e, 0)),
            pl.BlockSpec((1, 2 * ID, HD), lambda e: (e, 0, 0)),
            pl.BlockSpec((1, 1, HD), lambda e: (e, 0, 0)),
            pl.BlockSpec((1, HD, ID), lambda e: (e, 0, 0)),
            pl.BlockSpec((1, 1, ID), lambda e: (e, 0, 0)),
        ],
        out_specs=pl.BlockSpec((CAP, HD), lambda e: (e, 0)),
        out_shape=jax.ShapeDtypeStruct((NSLOT, HD), jnp.float32),
    )(xg, Wg, ng.reshape(NE, 1, HD), Wd, nd.reshape(NE, 1, ID))


def _shared_body(x_ref, wg_ref, ng_ref, wd_ref, nd_ref,
                 y0_ref, y1_ref, wt_ref, y_ref, wgq_ref, wdq_ref):
    @pl.when(pl.program_id(0) == 0)
    def _():
        wgq_ref[...] = _ternary_bf16(wg_ref[...])
        wdq_ref[...] = _ternary_bf16(wd_ref[...])

    x = x_ref[...]
    ng = ng_ref[...]
    nd = nd_ref[...]
    xn = _rms(x, ng, EPS_BIT)
    sx = 127.0 / jnp.clip(jnp.max(jnp.abs(xn), axis=-1, keepdims=True), 1e-5, None)
    xq = jnp.clip(jnp.round(xn * sx), -128.0, 127.0) / sx
    y = jax.lax.dot_general(
        xq.astype(jnp.bfloat16), wgq_ref[...],
        (((1,), (1,)), ((), ())), preferred_element_type=jnp.float32)
    g = y[:, :ID]
    v = y[:, ID:]
    h = g * jax.nn.sigmoid(g) * v
    hn = _rms(h, nd, EPS_BIT)
    s2 = 127.0 / jnp.clip(jnp.max(jnp.abs(hn), axis=-1, keepdims=True), 1e-5, None)
    hq = jnp.clip(jnp.round(hn * s2), -128.0, 127.0) / s2
    sh = jax.lax.dot_general(
        hq.astype(jnp.bfloat16), wdq_ref[...],
        (((1,), (1,)), ((), ())), preferred_element_type=jnp.float32)
    w0 = wt_ref[:, 0:1]
    w1 = wt_ref[:, 1:2]
    z = jnp.zeros_like(sh)
    o = sh + jnp.where(w0 != 0.0, w0 * y0_ref[...], z)
    y_ref[...] = o + jnp.where(w1 != 0.0, w1 * y1_ref[...], z)


def _shared_combine(xf, sWg, sng, sWd, snd, y0, y1, wt):
    blk = 512
    return pl.pallas_call(
        _shared_body,
        grid=(NT // blk,),
        in_specs=[
            pl.BlockSpec((blk, HD), lambda i: (i, 0)),
            pl.BlockSpec((2 * ID, HD), lambda i: (0, 0)),
            pl.BlockSpec((1, HD), lambda i: (0, 0)),
            pl.BlockSpec((HD, ID), lambda i: (0, 0)),
            pl.BlockSpec((1, ID), lambda i: (0, 0)),
            pl.BlockSpec((blk, HD), lambda i: (i, 0)),
            pl.BlockSpec((blk, HD), lambda i: (i, 0)),
            pl.BlockSpec((blk, 2), lambda i: (i, 0)),
        ],
        out_specs=pl.BlockSpec((blk, HD), lambda i: (i, 0)),
        out_shape=jax.ShapeDtypeStruct((NT, HD), jnp.float32),
        scratch_shapes=[
            pltpu.VMEM((2 * ID, HD), jnp.bfloat16),
            pltpu.VMEM((HD, ID), jnp.bfloat16),
        ],
    )(xf, sWg, sng, sWd, snd, y0, y1, wt)



_NW = 32
_TPW = NT // _NW
_CH = 32

_SC_MESH = dict(core_axis_name="c", subcore_axis_name="s",
                num_cores=2, num_subcores=16)


def _worker_id():
    return jax.lax.axis_index("s") * 2 + jax.lax.axis_index("c")


def _dispatch_body(x_hbm, d0_hbm, d1_hbm, xg_hbm,
                   rows_v, i0a, i1a, i0b, i1b, sem):
    wid = _worker_id()
    base = pl.multiple_of(wid * _TPW, 64)
    pltpu.sync_copy(d0_hbm.at[pl.ds(base, 64)], i0a)
    pltpu.sync_copy(d1_hbm.at[pl.ds(base, 64)], i1a)
    pltpu.sync_copy(d0_hbm.at[pl.ds(base + 64, 64)], i0b)
    pltpu.sync_copy(d1_hbm.at[pl.ds(base + 64, 64)], i1b)
    for c, i0, i1 in ((0, i0a, i1a), (1, i0b, i1b)):
        b = pl.multiple_of(base + c * 64, 64)
        pltpu.sync_copy(x_hbm.at[pl.ds(b, 64)], rows_v)
        c0 = pltpu.async_copy(rows_v, xg_hbm.at[i0], sem)
        c1 = pltpu.async_copy(rows_v, xg_hbm.at[i1], sem)
        c0.wait()
        c1.wait()


def _dispatch(xf, dd0, dd1):
    f = functools.partial(
        pl.kernel,
        out_type=jax.ShapeDtypeStruct((NSLOT + NT, HD), jnp.float32),
        mesh=plsc.VectorSubcoreMesh(**_SC_MESH),
        scratch_types=[
            pltpu.VMEM((64, HD), jnp.float32),
            pltpu.VMEM((64,), jnp.int32),
            pltpu.VMEM((64,), jnp.int32),
            pltpu.VMEM((64,), jnp.int32),
            pltpu.VMEM((64,), jnp.int32),
            pltpu.SemaphoreType.DMA,
        ],
    )(_dispatch_body)
    return f(xf, dd0, dd1)


def _gather_body(yg_hbm, d0_hbm, d1_hbm, y0_hbm, y1_hbm,
                 b0_v, b1_v, i0_v, i1_v, sem):
    wid = _worker_id()

    def chunk(i, carry):
        base = pl.multiple_of(wid * _TPW + i * _CH, _CH)
        pltpu.sync_copy(d0_hbm.at[pl.ds(base, _CH)], i0_v)
        pltpu.sync_copy(d1_hbm.at[pl.ds(base, _CH)], i1_v)
        c0 = pltpu.async_copy(yg_hbm.at[i0_v], b0_v, sem)
        c1 = pltpu.async_copy(yg_hbm.at[i1_v], b1_v, sem)
        c0.wait()
        c1.wait()
        pltpu.sync_copy(b0_v, y0_hbm.at[pl.ds(base, _CH)])
        pltpu.sync_copy(b1_v, y1_hbm.at[pl.ds(base, _CH)])
        return carry

    jax.lax.fori_loop(0, _TPW // _CH, chunk, 0)


def _gather_sc(yg, dc0, dc1):
    f = functools.partial(
        pl.kernel,
        out_type=[
            jax.ShapeDtypeStruct((NT, HD), jnp.float32),
            jax.ShapeDtypeStruct((NT, HD), jnp.float32),
        ],
        mesh=plsc.VectorSubcoreMesh(**_SC_MESH),
        scratch_types=[
            pltpu.VMEM((_CH, HD), jnp.float32),
            pltpu.VMEM((_CH, HD), jnp.float32),
            pltpu.VMEM((_CH,), jnp.int32),
            pltpu.VMEM((_CH,), jnp.int32),
            pltpu.SemaphoreType.DMA,
        ],
    )(_gather_body)
    return f(yg, dc0, dc1)



def kernel(x, Wg, ng, Wd, nd, sWg, sng, sWd, snd, gate_norm_w, gate_w):
    xf = x.reshape(-1, HD)
    dd0, dd1, dc0, dc1, wt = _router(xf, gate_norm_w.reshape(1, HD), gate_w)
    xg = _dispatch(xf, dd0, dd1)
    yg = _experts(xg, Wg, ng, Wd, nd)
    y0, y1 = _gather_sc(yg, dc0, dc1)
    out = _shared_combine(xf, sWg, sng.reshape(1, HD), sWd,
                          snd.reshape(1, ID), y0, y1, wt)
    return out.reshape(x.shape[0], x.shape[1], HD)

# --- scband reference (transcript-rebuilt; emitter-appended) ---
"""Pipeline reference for scband-hgrnbit-mo-e-80616536146629 (READ-ONLY COPY).

The authoritative reference and input builder live on the scoring server;
editing this copy changes nothing except your own understanding.
"""

import jax, jax.numpy as jnp
import numpy as np

B, S, H = 2, 2048, 1024
I = 512
E = 64
TOPK = 2
CAP_FACTOR = 1.25
EPS_GATE = 1e-6
EPS_BIT = 1e-8


def rms_norm(x, w, eps):
    var = jnp.mean(jnp.square(x), axis=-1, keepdims=True)
    return x * jax.lax.rsqrt(var + eps) * w


def act_quant(x):
    scale = 127.0 / jnp.clip(jnp.max(jnp.abs(x), axis=-1, keepdims=True), 1e-5, None)
    return jnp.clip(jnp.round(x * scale), -128.0, 127.0) / scale


def weight_quant(w):
    scale = 1.0 / jnp.clip(jnp.mean(jnp.abs(w)), 1e-5, None)
    return jnp.clip(jnp.round(w * scale), -1.0, 1.0) / scale


def bit_linear(x, W, norm_w):
    # FusedBitLinear: RMSNorm -> activation quant (STE) -> ternary weight quant (STE) -> matmul
    xn = rms_norm(x, norm_w, EPS_BIT)
    xq = xn + jax.lax.stop_gradient(act_quant(xn) - xn)
    wq = W + jax.lax.stop_gradient(weight_quant(W) - W)
    return xq @ wq.T


def mlp(x, Wg, ng, Wd, nd):
    # HGRNBitMLP: gate_proj -> chunk -> swiglu -> down_proj
    y = bit_linear(x, Wg, ng)
    g, v = jnp.split(y, 2, axis=-1)
    return bit_linear(jax.nn.silu(g) * v, Wd, nd)


def setup_inputs(seed: int = 0):
    key = jax.random.key(seed)
    ks = jax.random.split(key, 6)
    x = jax.random.normal(ks[0], (B, S, H), dtype=jnp.float32)
    sg = 1.0 / np.sqrt(H)
    sd = 1.0 / np.sqrt(I)
    Wg = jax.random.uniform(ks[1], (E, 2 * I, H), minval=-sg, maxval=sg, dtype=jnp.float32)
    Wd = jax.random.uniform(ks[2], (E, H, I), minval=-sd, maxval=sd, dtype=jnp.float32)
    ng = jnp.ones((E, H), jnp.float32)
    nd = jnp.ones((E, I), jnp.float32)
    sWg = jax.random.uniform(ks[3], (2 * I, H), minval=-sg, maxval=sg, dtype=jnp.float32)
    sWd = jax.random.uniform(ks[4], (H, I), minval=-sd, maxval=sd, dtype=jnp.float32)
    sng = jnp.ones((H,), jnp.float32)
    snd = jnp.ones((I,), jnp.float32)
    gate_norm_w = jnp.ones((H,), jnp.float32)
    gate_w = jax.random.uniform(ks[5], (E, H), minval=-sg, maxval=sg, dtype=jnp.float32)
    return {"x": x, "Wg": Wg, "ng": ng, "Wd": Wd, "nd": nd, "sWg": sWg, "sng": sng,
            "sWd": sWd, "snd": snd, "gate_norm_w": gate_norm_w, "gate_w": gate_w}


def reference(x, Wg, ng, Wd, nd, sWg, sng, sWd, snd, gate_norm_w, gate_w):
    x_flat = x.reshape(-1, H)
    T = x_flat.shape[0]
    shared = mlp(x_flat, sWg, sng, sWd, snd)
    xn = rms_norm(x_flat, gate_norm_w, EPS_GATE)
    logits = xn @ gate_w.T
    probs = jax.nn.softmax(logits, axis=-1)
    topw, topi = jax.lax.top_k(probs, TOPK)
    capacity = int(T / E * CAP_FACTOR)
    rows = jnp.arange(T)[:, None]
    expert_mask = jnp.zeros((T, E), dtype=topw.dtype).at[rows, topi].set(topw)
    routed = jnp.zeros_like(x_flat)
    topw = jnp.asarray(topw)
    rows_flat = jnp.arange(T)
    for e in range(E):
        assigned = expert_mask[:, e] != 0.0
        rank = jnp.cumsum(assigned) - 1
        in_cap = assigned & (rank < capacity)
        slot = jnp.where(in_cap, rank, capacity)
        sel = jnp.zeros((capacity,), dtype=jnp.int32).at[slot].set(rows_flat.astype(jnp.int32), mode="drop")
        valid = jnp.zeros((capacity,), dtype=bool).at[slot].set(True, mode="drop")
        eout = mlp(x_flat[sel], Wg[e], ng[e], Wd[e], nd[e])
        pos = jnp.argmax(topi[sel] == e, axis=1)
        rel = jnp.where(valid, topw[sel, pos], 0.0)
        routed = routed.at[sel].add(rel[:, None] * eout)
    final = routed + shared
    return final.reshape(B, S, -1)

if __name__ == "__main__":
    import jax
    _d = setup_inputs()
    print(jax.jit(kernel)(*tuple(_d.values())))

</pallas_src>

<mosaic_0001>
#map = affine_map<(d0, d1) -> (0, 0)>
#map1 = affine_map<(d0, d1) -> (0)>
module attributes {stable_mosaic.version = 14 : i64} {
  func.func @_dispatch_body(%arg0: i32, %arg1: i32, %arg2: memref<4096x1024xf32, #tpu.memory_space<hbm>>, %arg3: memref<4096xi32, #tpu.memory_space<hbm>>, %arg4: memref<4096xi32, #tpu.memory_space<hbm>>, %arg5: memref<9216x1024xf32, #tpu.memory_space<hbm>>, %arg6: memref<64x1024xf32, #tpu.memory_space<vmem>>, %arg7: memref<64xi32, #tpu.memory_space<vmem>>, %arg8: memref<64xi32, #tpu.memory_space<vmem>>, %arg9: memref<64xi32, #tpu.memory_space<vmem>>, %arg10: memref<64xi32, #tpu.memory_space<vmem>>, %arg11: memref<!tpu.dma_semaphore, #tpu.memory_space<semaphore_mem>>) attributes {dimension_semantics = [#tpu.dimension_semantics<core_parallel>, #tpu.dimension_semantics<subcore_parallel>], iteration_bounds = array<i64: 2, 16>, scalar_prefetch = 0 : i64, scratch_operands = 6 : i64, tpu.core_type = #tpu.core_type<sc_vector_subcore>, window_params = [{transform_indices = #map}, {transform_indices = #map1}, {transform_indices = #map1}, {transform_indices = #map}]} {
    %mul3A = arith.constant 2 : i32
    %mul3A_0 = arith.muli %arg1, %mul3A : i32
    %add3A = arith.addi %mul3A_0, %arg0 : i32
    %mul3A_1 = arith.constant 128 : i32
    %mul3A_2 = arith.muli %add3A, %mul3A_1 : i32
    %multiple_of3A = tpu.assume_multiple %mul3A_2, 64 : i32
    "tpu.region"() ({
      %run_scoped3A = tpu.sem_alloc : memref<!tpu.dma_semaphore, #tpu.memory_space<semaphore_mem>>
      %dma_start3A_35 = tpu.memref_slice %arg3[%multiple_of3A] : memref<4096xi32, #tpu.memory_space<hbm>> -> memref<64xi32, #tpu.memory_space<hbm>>
      %dma_start3A_36 = tpu.memref_slice %arg3[%multiple_of3A] : memref<4096xi32, #tpu.memory_space<hbm>> -> memref<64xi32, #tpu.memory_space<hbm>>
      tpu.enqueue_dma source(%dma_start3A_36 : memref<64xi32, #tpu.memory_space<hbm>>) target(%arg7 : memref<64xi32, #tpu.memory_space<vmem>>) target_semaphore(%run_scoped3A : memref<!tpu.dma_semaphore, #tpu.memory_space<semaphore_mem>>)
      %dma_wait3A_37 = tpu.memref_slice %arg3[%multiple_of3A] : memref<4096xi32, #tpu.memory_space<hbm>> -> memref<64xi32, #tpu.memory_space<hbm>>
      %dma_wait3A_38 = tpu.memref_slice %arg3[%multiple_of3A] : memref<4096xi32, #tpu.memory_space<hbm>> -> memref<64xi32, #tpu.memory_space<hbm>>
      tpu.wait_dma2 semaphore(%run_scoped3A : memref<!tpu.dma_semaphore, #tpu.memory_space<semaphore_mem>>) src(%dma_wait3A_38 : memref<64xi32, #tpu.memory_space<hbm>>) dst(%arg7 : memref<64xi32, #tpu.memory_space<vmem>>)
      tpu.yield
    }) : () -> ()
    "tpu.region"() ({
      %run_scoped3A = tpu.sem_alloc : memref<!tpu.dma_semaphore, #tpu.memory_space<semaphore_mem>>
      %dma_start3A_35 = tpu.memref_slice %arg4[%multiple_of3A] : memref<4096xi32, #tpu.memory_space<hbm>> -> memref<64xi32, #tpu.memory_space<hbm>>
      %dma_start3A_36 = tpu.memref_slice %arg4[%multiple_of3A] : memref<4096xi32, #tpu.memory_space<hbm>> -> memref<64xi32, #tpu.memory_space<hbm>>
      tpu.enqueue_dma source(%dma_start3A_36 : memref<64xi32, #tpu.memory_space<hbm>>) target(%arg8 : memref<64xi32, #tpu.memory_space<vmem>>) target_semaphore(%run_scoped3A : memref<!tpu.dma_semaphore, #tpu.memory_space<semaphore_mem>>)
      %dma_wait3A_37 = tpu.memref_slice %arg4[%multiple_of3A] : memref<4096xi32, #tpu.memory_space<hbm>> -> memref<64xi32, #tpu.memory_space<hbm>>
      %dma_wait3A_38 = tpu.memref_slice %arg4[%multiple_of3A] : memref<4096xi32, #tpu.memory_space<hbm>> -> memref<64xi32, #tpu.memory_space<hbm>>
      tpu.wait_dma2 semaphore(%run_scoped3A : memref<!tpu.dma_semaphore, #tpu.memory_space<semaphore_mem>>) src(%dma_wait3A_38 : memref<64xi32, #tpu.memory_space<hbm>>) dst(%arg8 : memref<64xi32, #tpu.memory_space<vmem>>)
      tpu.yield
    }) : () -> ()
    %add3A_3 = arith.constant 64 : i32
    %add3A_4 = arith.addi %multiple_of3A, %add3A_3 : i32
    "tpu.region"() ({
      %run_scoped3A = tpu.sem_alloc : memref<!tpu.dma_semaphore, #tpu.memory_space<semaphore_mem>>
      %dma_start3A_35 = tpu.memref_slice %arg3[%add3A_4] : memref<4096xi32, #tpu.memory_space<hbm>> -> memref<64xi32, #tpu.memory_space<hbm>>
      %dma_start3A_36 = tpu.memref_slice %arg3[%add3A_4] : memref<4096xi32, #tpu.memory_space<hbm>> -> memref<64xi32, #tpu.memory_space<hbm>>
      tpu.enqueue_dma source(%dma_start3A_36 : memref<64xi32, #tpu.memory_space<hbm>>) target(%arg9 : memref<64xi32, #tpu.memory_space<vmem>>) target_semaphore(%run_scoped3A : memref<!tpu.dma_semaphore, #tpu.memory_space<semaphore_mem>>)
      %dma_wait3A_37 = tpu.memref_slice %arg3[%add3A_4] : memref<4096xi32, #tpu.memory_space<hbm>> -> memref<64xi32, #tpu.memory_space<hbm>>
      %dma_wait3A_38 = tpu.memref_slice %arg3[%add3A_4] : memref<4096xi32, #tpu.memory_space<hbm>> -> memref<64xi32, #tpu.memory_space<hbm>>
      tpu.wait_dma2 semaphore(%run_scoped3A : memref<!tpu.dma_semaphore, #tpu.memory_space<semaphore_mem>>) src(%dma_wait3A_38 : memref<64xi32, #tpu.memory_space<hbm>>) dst(%arg9 : memref<64xi32, #tpu.memory_space<vmem>>)
      tpu.yield
    }) : () -> ()
    %add3A_5 = arith.constant 64 : i32
    %add3A_6 = arith.addi %multiple_of3A, %add3A_5 : i32
    "tpu.region"() ({
      %run_scoped3A = tpu.sem_alloc : memref<!tpu.dma_semaphore, #tpu.memory_space<semaphore_mem>>
      %dma_start3A_35 = tpu.memref_slice %arg4[%add3A_6] : memref<4096xi32, #tpu.memory_space<hbm>> -> memref<64xi32, #tpu.memory_space<hbm>>
      %dma_start3A_36 = tpu.memref_slice %arg4[%add3A_6] : memref<4096xi32, #tpu.memory_space<hbm>> -> memref<64xi32, #tpu.memory_space<hbm>>
      tpu.enqueue_dma source(%dma_start3A_36 : memref<64xi32, #tpu.memory_space<hbm>>) target(%arg10 : memref<64xi32, #tpu.memory_space<vmem>>) target_semaphore(%run_scoped3A : memref<!tpu.dma_semaphore, #tpu.memory_space<semaphore_mem>>)
      %dma_wait3A_37 = tpu.memref_slice %arg4[%add3A_6] : memref<4096xi32, #tpu.memory_space<hbm>> -> memref<64xi32, #tpu.memory_space<hbm>>
      %dma_wait3A_38 = tpu.memref_slice %arg4[%add3A_6] : memref<4096xi32, #tpu.memory_space<hbm>> -> memref<64xi32, #tpu.memory_space<hbm>>
      tpu.wait_dma2 semaphore(%run_scoped3A : memref<!tpu.dma_semaphore, #tpu.memory_space<semaphore_mem>>) src(%dma_wait3A_38 : memref<64xi32, #tpu.memory_space<hbm>>) dst(%arg10 : memref<64xi32, #tpu.memory_space<vmem>>)
      tpu.yield
    }) : () -> ()
    %add3A_7 = arith.constant 0 : i32
    %add3A_8 = arith.addi %multiple_of3A, %add3A_7 : i32
    %multiple_of3A_9 = tpu.assume_multiple %add3A_8, 64 : i32
    "tpu.region"() ({
      %run_scoped3A = tpu.sem_alloc : memref<!tpu.dma_semaphore, #tpu.memory_space<semaphore_mem>>
      %dma_start3A_35 = arith.constant 0 : i32
      %dma_start3A_36 = tpu.memref_slice %arg2[%multiple_of3A_9, %dma_start3A_35] : memref<4096x1024xf32, #tpu.memory_space<hbm>> -> memref<64x1024xf32, #tpu.memory_space<hbm>>
      %dma_start3A_37 = arith.constant 0 : i32
      %dma_start3A_38 = tpu.memref_slice %arg2[%multiple_of3A_9, %dma_start3A_37] : memref<4096x1024xf32, #tpu.memory_space<hbm>> -> memref<64x1024xf32, #tpu.memory_space<hbm>>
      tpu.enqueue_dma source(%dma_start3A_38 : memref<64x1024xf32, #tpu.memory_space<hbm>>) target(%arg6 : memref<64x1024xf32, #tpu.memory_space<vmem>>) target_semaphore(%run_scoped3A : memref<!tpu.dma_semaphore, #tpu.memory_space<semaphore_mem>>)
      %dma_wait3A_39 = arith.constant 0 : i32
      %dma_wait3A_40 = tpu.memref_slice %arg2[%multiple_of3A_9, %dma_wait3A_39] : memref<4096x1024xf32, #tpu.memory_space<hbm>> -> memref<64x1024xf32, #tpu.memory_space<hbm>>
      %dma_wait3A_41 = arith.constant 0 : i32
      %dma_wait3A_42 = tpu.memref_slice %arg2[%multiple_of3A_9, %dma_wait3A_41] : memref<4096x1024xf32, #tpu.memory_space<hbm>> -> memref<64x1024xf32, #tpu.memory_space<hbm>>
      tpu.wait_dma2 semaphore(%run_scoped3A : memref<!tpu.dma_semaphore, #tpu.memory_space<semaphore_mem>>) src(%dma_wait3A_42 : memref<64x1024xf32, #tpu.memory_space<hbm>>) dst(%arg6 : memref<64x1024xf32, #tpu.memory_space<vmem>>)
      tpu.yield
    }) : () -> ()
    %dma_start3A = arith.constant 0 : i32
    %dma_start3A_10 = arith.constant 0 : i32
    %dma_start3A_11 = tpu.memref_slice %arg5[%dma_start3A, %dma_start3A_10] : memref<9216x1024xf32, #tpu.memory_space<hbm>> -> memref<9216x1024xf32, #tpu.memory_space<hbm>>
    tpu.enqueue_indirect_dma source(%arg6 : memref<64x1024xf32, #tpu.memory_space<vmem>>) target(%dma_start3A_11 : memref<9216x1024xf32, #tpu.memory_space<hbm>>) offsets(%arg7 : memref<64xi32, #tpu.memory_space<vmem>>) semaphore(%arg11 : memref<!tpu.dma_semaphore, #tpu.memory_space<semaphore_mem>>)
    %dma_start3A_12 = arith.constant 0 : i32
    %dma_start3A_13 = arith.constant 0 : i32
    %dma_start3A_14 = tpu.memref_slice %arg5[%dma_start3A_12, %dma_start3A_13] : memref<9216x1024xf32, #tpu.memory_space<hbm>> -> memref<9216x1024xf32, #tpu.memory_space<hbm>>
    tpu.enqueue_indirect_dma source(%arg6 : memref<64x1024xf32, #tpu.memory_space<vmem>>) target(%dma_start3A_14 : memref<9216x1024xf32, #tpu.memory_space<hbm>>) offsets(%arg8 : memref<64xi32, #tpu.memory_space<vmem>>) semaphore(%arg11 : memref<!tpu.dma_semaphore, #tpu.memory_space<semaphore_mem>>)
    %dma_wait3A = arith.constant 0 : i32
    %dma_wait3A_15 = arith.constant 0 : i32
    %dma_wait3A_16 = tpu.memref_slice %arg5[%dma_wait3A, %dma_wait3A_15] : memref<9216x1024xf32, #tpu.memory_space<hbm>> -> memref<9216x1024xf32, #tpu.memory_space<hbm>>
    tpu.wait_indirect_dma semaphore(%arg11 : memref<!tpu.dma_semaphore, #tpu.memory_space<semaphore_mem>>) src(%arg6 : memref<64x1024xf32, #tpu.memory_space<vmem>>) dst(%dma_wait3A_16 : memref<9216x1024xf32, #tpu.memory_space<hbm>>)
    %dma_wait3A_17 = arith.constant 0 : i32
    %dma_wait3A_18 = arith.constant 0 : i32
    %dma_wait3A_19 = tpu.memref_slice %arg5[%dma_wait3A_17, %dma_wait3A_18] : memref<9216x1024xf32, #tpu.memory_space<hbm>> -> memref<9216x1024xf32, #tpu.memory_space<hbm>>
    tpu.wait_indirect_dma semaphore(%arg11 : memref<!tpu.dma_semaphore, #tpu.memory_space<semaphore_mem>>) src(%arg6 : memref<64x1024xf32, #tpu.memory_space<vmem>>) dst(%dma_wait3A_19 : memref<9216x1024xf32, #tpu.memory_space<hbm>>)
    %add3A_20 = arith.constant 64 : i32
    %add3A_21 = arith.addi %multiple_of3A, %add3A_20 : i32
    %multiple_of3A_22 = tpu.assume_multiple %add3A_21, 64 : i32
    "tpu.region"() ({
      %run_scoped3A = tpu.sem_alloc : memref<!tpu.dma_semaphore, #tpu.memory_space<semaphore_mem>>
      %dma_start3A_35 = arith.constant 0 : i32
      %dma_start3A_36 = tpu.memref_slice %arg2[%multiple_of3A_22, %dma_start3A_35] : memref<4096x1024xf32, #tpu.memory_space<hbm>> -> memref<64x1024xf32, #tpu.memory_space<hbm>>
      %dma_start3A_37 = arith.constant 0 : i32
      %dma_start3A_38 = tpu.memref_slice %arg2[%multiple_of3A_22, %dma_start3A_37] : memref<4096x1024xf32, #tpu.memory_space<hbm>> -> memref<64x1024xf32, #tpu.memory_space<hbm>>
      tpu.enqueue_dma source(%dma_start3A_38 : memref<64x1024xf32, #tpu.memory_space<hbm>>) target(%arg6 : memref<64x1024xf32, #tpu.memory_space<vmem>>) target_semaphore(%run_scoped3A : memref<!tpu.dma_semaphore, #tpu.memory_space<semaphore_mem>>)
      %dma_wait3A_39 = arith.constant 0 : i32
      %dma_wait3A_40 = tpu.memref_slice %arg2[%multiple_of3A_22, %dma_wait3A_39] : memref<4096x1024xf32, #tpu.memory_space<hbm>> -> memref<64x1024xf32, #tpu.memory_space<hbm>>
      %dma_wait3A_41 = arith.constant 0 : i32
      %dma_wait3A_42 = tpu.memref_slice %arg2[%multiple_of3A_22, %dma_wait3A_41] : memref<4096x1024xf32, #tpu.memory_space<hbm>> -> memref<64x1024xf32, #tpu.memory_space<hbm>>
      tpu.wait_dma2 semaphore(%run_scoped3A : memref<!tpu.dma_semaphore, #tpu.memory_space<semaphore_mem>>) src(%dma_wait3A_42 : memref<64x1024xf32, #tpu.memory_space<hbm>>) dst(%arg6 : memref<64x1024xf32, #tpu.memory_space<vmem>>)
      tpu.yield
    }) : () -> ()
    %dma_start3A_23 = arith.constant 0 : i32
    %dma_start3A_24 = arith.constant 0 : i32
    %dma_start3A_25 = tpu.memref_slice %arg5[%dma_start3A_23, %dma_start3A_24] : memref<9216x1024xf32, #tpu.memory_space<hbm>> -> memref<9216x1024xf32, #tpu.memory_space<hbm>>
    tpu.enqueue_indirect_dma source(%arg6 : memref<64x1024xf32, #tpu.memory_space<vmem>>) target(%dma_start3A_25 : memref<9216x1024xf32, #tpu.memory_space<hbm>>) offsets(%arg9 : memref<64xi32, #tpu.memory_space<vmem>>) semaphore(%arg11 : memref<!tpu.dma_semaphore, #tpu.memory_space<semaphore_mem>>)
    %dma_start3A_26 = arith.constant 0 : i32
    %dma_start3A_27 = arith.constant 0 : i32
    %dma_start3A_28 = tpu.memref_slice %arg5[%dma_start3A_26, %dma_start3A_27] : memref<9216x1024xf32, #tpu.memory_space<hbm>> -> memref<9216x1024xf32, #tpu.memory_space<hbm>>
    tpu.enqueue_indirect_dma source(%arg6 : memref<64x1024xf32, #tpu.memory_space<vmem>>) target(%dma_start3A_28 : memref<9216x1024xf32, #tpu.memory_space<hbm>>) offsets(%arg10 : memref<64xi32, #tpu.memory_space<vmem>>) semaphore(%arg11 : memref<!tpu.dma_semaphore, #tpu.memory_space<semaphore_mem>>)
    %dma_wait3A_29 = arith.constant 0 : i32
    %dma_wait3A_30 = arith.constant 0 : i32
    %dma_wait3A_31 = tpu.memref_slice %arg5[%dma_wait3A_29, %dma_wait3A_30] : memref<9216x1024xf32, #tpu.memory_space<hbm>> -> memref<9216x1024xf32, #tpu.memory_space<hbm>>
    tpu.wait_indirect_dma semaphore(%arg11 : memref<!tpu.dma_semaphore, #tpu.memory_space<semaphore_mem>>) src(%arg6 : memref<64x1024xf32, #tpu.memory_space<vmem>>) dst(%dma_wait3A_31 : memref<9216x1024xf32, #tpu.memory_space<hbm>>)
    %dma_wait3A_32 = arith.constant 0 : i32
    %dma_wait3A_33 = arith.constant 0 : i32
    %dma_wait3A_34 = tpu.memref_slice %arg5[%dma_wait3A_32, %dma_wait3A_33] : memref<9216x1024xf32, #tpu.memory_space<hbm>> -> memref<9216x1024xf32, #tpu.memory_space<hbm>>
    tpu.wait_indirect_dma semaphore(%arg11 : memref<!tpu.dma_semaphore, #tpu.memory_space<semaphore_mem>>) src(%arg6 : memref<64x1024xf32, #tpu.memory_space<vmem>>) dst(%dma_wait3A_34 : memref<9216x1024xf32, #tpu.memory_space<hbm>>)
    return
  }
}

#map = affine_map<(d0, d1) -> (0, 0)>
#map1 = affine_map<(d0, d1) -> (0)>
module attributes {stable_mosaic.version = 14 : i64} {
  func.func @_gather_body(%arg0: i32, %arg1: i32, %arg2: memref<5120x1024xf32, #tpu.memory_space<hbm>>, %arg3: memref<4096xi32, #tpu.memory_space<hbm>>, %arg4: memref<4096xi32, #tpu.memory_space<hbm>>, %arg5: memref<4096x1024xf32, #tpu.memory_space<hbm>>, %arg6: memref<4096x1024xf32, #tpu.memory_space<hbm>>, %arg7: memref<32x1024xf32, #tpu.memory_space<vmem>>, %arg8: memref<32x1024xf32, #tpu.memory_space<vmem>>, %arg9: memref<32xi32, #tpu.memory_space<vmem>>, %arg10: memref<32xi32, #tpu.memory_space<vmem>>, %arg11: memref<!tpu.dma_semaphore, #tpu.memory_space<semaphore_mem>>) attributes {dimension_semantics = [#tpu.dimension_semantics<core_parallel>, #tpu.dimension_semantics<subcore_parallel>], iteration_bounds = array<i64: 2, 16>, scalar_prefetch = 0 : i64, scratch_operands = 5 : i64, tpu.core_type = #tpu.core_type<sc_vector_subcore>, window_params = [{transform_indices = #map}, {transform_indices = #map1}, {transform_indices = #map1}, {transform_indices = #map}, {transform_indices = #map}]} {
    %mul3A = arith.constant 2 : i32
    %mul3A_0 = arith.muli %arg1, %mul3A : i32
    %add3A = arith.addi %mul3A_0, %arg0 : i32
    %scan3A = arith.constant 0 : i32
    %scan3A_1 = arith.constant 0 : i32
    %scan3A_2 = arith.constant 4 : i32
    %scan3A_3 = arith.addi %scan3A_1, %scan3A_2 : i32
    %scan3A_4 = arith.constant 1 : i32
    scf.for %scan3A_6 = %scan3A_1 to %scan3A_3 step %scan3A_4  : i32 {
      %mul3A_7 = arith.constant 128 : i32
      %mul3A_8 = arith.muli %add3A, %mul3A_7 : i32
      %mul3A_9 = arith.constant 32 : i32
      %mul3A_10 = arith.muli %scan3A_6, %mul3A_9 : i32
      %add3A_11 = arith.addi %mul3A_8, %mul3A_10 : i32
      %multiple_of3A = tpu.assume_multiple %add3A_11, 32 : i32
      "tpu.region"() ({
        %run_scoped3A = tpu.sem_alloc : memref<!tpu.dma_semaphore, #tpu.memory_space<semaphore_mem>>
        %dma_start3A_22 = tpu.memref_slice %arg3[%multiple_of3A] : memref<4096xi32, #tpu.memory_space<hbm>> -> memref<32xi32, #tpu.memory_space<hbm>>
        %dma_start3A_23 = tpu.memref_slice %arg3[%multiple_of3A] : memref<4096xi32, #tpu.memory_space<hbm>> -> memref<32xi32, #tpu.memory_space<hbm>>
        tpu.enqueue_dma source(%dma_start3A_23 : memref<32xi32, #tpu.memory_space<hbm>>) target(%arg9 : memref<32xi32, #tpu.memory_space<vmem>>) target_semaphore(%run_scoped3A : memref<!tpu.dma_semaphore, #tpu.memory_space<semaphore_mem>>)
        %dma_wait3A_24 = tpu.memref_slice %arg3[%multiple_of3A] : memref<4096xi32, #tpu.memory_space<hbm>> -> memref<32xi32, #tpu.memory_space<hbm>>
        %dma_wait3A_25 = tpu.memref_slice %arg3[%multiple_of3A] : memref<4096xi32, #tpu.memory_space<hbm>> -> memref<32xi32, #tpu.memory_space<hbm>>
        tpu.wait_dma2 semaphore(%run_scoped3A : memref<!tpu.dma_semaphore, #tpu.memory_space<semaphore_mem>>) src(%dma_wait3A_25 : memref<32xi32, #tpu.memory_space<hbm>>) dst(%arg9 : memref<32xi32, #tpu.memory_space<vmem>>)
        tpu.yield
      }) : () -> ()
      "tpu.region"() ({
        %run_scoped3A = tpu.sem_alloc : memref<!tpu.dma_semaphore, #tpu.memory_space<semaphore_mem>>
        %dma_start3A_22 = tpu.memref_slice %arg4[%multiple_of3A] : memref<4096xi32, #tpu.memory_space<hbm>> -> memref<32xi32, #tpu.memory_space<hbm>>
        %dma_start3A_23 = tpu.memref_slice %arg4[%multiple_of3A] : memref<4096xi32, #tpu.memory_space<hbm>> -> memref<32xi32, #tpu.memory_space<hbm>>
        tpu.enqueue_dma source(%dma_start3A_23 : memref<32xi32, #tpu.memory_space<hbm>>) target(%arg10 : memref<32xi32, #tpu.memory_space<vmem>>) target_semaphore(%run_scoped3A : memref<!tpu.dma_semaphore, #tpu.memory_space<semaphore_mem>>)
        %dma_wait3A_24 = tpu.memref_slice %arg4[%multiple_of3A] : memref<4096xi32, #tpu.memory_space<hbm>> -> memref<32xi32, #tpu.memory_space<hbm>>
        %dma_wait3A_25 = tpu.memref_slice %arg4[%multiple_of3A] : memref<4096xi32, #tpu.memory_space<hbm>> -> memref<32xi32, #tpu.memory_space<hbm>>
        tpu.wait_dma2 semaphore(%run_scoped3A : memref<!tpu.dma_semaphore, #tpu.memory_space<semaphore_mem>>) src(%dma_wait3A_25 : memref<32xi32, #tpu.memory_space<hbm>>) dst(%arg10 : memref<32xi32, #tpu.memory_space<vmem>>)
        tpu.yield
      }) : () -> ()
      %dma_start3A = arith.constant 0 : i32
      %dma_start3A_12 = arith.constant 0 : i32
      %dma_start3A_13 = tpu.memref_slice %arg2[%dma_start3A, %dma_start3A_12] : memref<5120x1024xf32, #tpu.memory_space<hbm>> -> memref<5120x1024xf32, #tpu.memory_space<hbm>>
      tpu.enqueue_indirect_dma source(%dma_start3A_13 : memref<5120x1024xf32, #tpu.memory_space<hbm>>) target(%arg7 : memref<32x1024xf32, #tpu.memory_space<vmem>>) offsets(%arg9 : memref<32xi32, #tpu.memory_space<vmem>>) semaphore(%arg11 : memref<!tpu.dma_semaphore, #tpu.memory_space<semaphore_mem>>)
      %dma_start3A_14 = arith.constant 0 : i32
      %dma_start3A_15 = arith.constant 0 : i32
      %dma_start3A_16 = tpu.memref_slice %arg2[%dma_start3A_14, %dma_start3A_15] : memref<5120x1024xf32, #tpu.memory_space<hbm>> -> memref<5120x1024xf32, #tpu.memory_space<hbm>>
      tpu.enqueue_indirect_dma source(%dma_start3A_16 : memref<5120x1024xf32, #tpu.memory_space<hbm>>) target(%arg8 : memref<32x1024xf32, #tpu.memory_space<vmem>>) offsets(%arg10 : memref<32xi32, #tpu.memory_space<vmem>>) semaphore(%arg11 : memref<!tpu.dma_semaphore, #tpu.memory_space<semaphore_mem>>)
      %dma_wait3A = arith.constant 0 : i32
      %dma_wait3A_17 = arith.constant 0 : i32
      %dma_wait3A_18 = tpu.memref_slice %arg2[%dma_wait3A, %dma_wait3A_17] : memref<5120x1024xf32, #tpu.memory_space<hbm>> -> memref<5120x1024xf32, #tpu.memory_space<hbm>>
      tpu.wait_indirect_dma semaphore(%arg11 : memref<!tpu.dma_semaphore, #tpu.memory_space<semaphore_mem>>) src(%dma_wait3A_18 : memref<5120x1024xf32, #tpu.memory_space<hbm>>) dst(%arg7 : memref<32x1024xf32, #tpu.memory_space<vmem>>)
      %dma_wait3A_19 = arith.constant 0 : i32
      %dma_wait3A_20 = arith.constant 0 : i32
      %dma_wait3A_21 = tpu.memref_slice %arg2[%dma_wait3A_19, %dma_wait3A_20] : memref<5120x1024xf32, #tpu.memory_space<hbm>> -> memref<5120x1024xf32, #tpu.memory_space<hbm>>
      tpu.wait_indirect_dma semaphore(%arg11 : memref<!tpu.dma_semaphore, #tpu.memory_space<semaphore_mem>>) src(%dma_wait3A_21 : memref<5120x1024xf32, #tpu.memory_space<hbm>>) dst(%arg8 : memref<32x1024xf32, #tpu.memory_space<vmem>>)
      "tpu.region"() ({
        %run_scoped3A = tpu.sem_alloc : memref<!tpu.dma_semaphore, #tpu.memory_space<semaphore_mem>>
        %dma_start3A_22 = arith.constant 0 : i32
        %dma_start3A_23 = tpu.memref_slice %arg5[%multiple_of3A, %dma_start3A_22] : memref<4096x1024xf32, #tpu.memory_space<hbm>> -> memref<32x1024xf32, #tpu.memory_space<hbm>>
        %dma_start3A_24 = arith.constant 0 : i32
        %dma_start3A_25 = tpu.memref_slice %arg5[%multiple_of3A, %dma_start3A_24] : memref<4096x1024xf32, #tpu.memory_space<hbm>> -> memref<32x1024xf32, #tpu.memory_space<hbm>>
        tpu.enqueue_dma source(%arg7 : memref<32x1024xf32, #tpu.memory_space<vmem>>) target(%dma_start3A_25 : memref<32x1024xf32, #tpu.memory_space<hbm>>) target_semaphore(%run_scoped3A : memref<!tpu.dma_semaphore, #tpu.memory_space<semaphore_mem>>)
        %dma_wait3A_26 = arith.constant 0 : i32
        %dma_wait3A_27 = tpu.memref_slice %arg5[%multiple_of3A, %dma_wait3A_26] : memref<4096x1024xf32, #tpu.memory_space<hbm>> -> memref<32x1024xf32, #tpu.memory_space<hbm>>
        %dma_wait3A_28 = arith.constant 0 : i32
        %dma_wait3A_29 = tpu.memref_slice %arg5[%multiple_of3A, %dma_wait3A_28] : memref<4096x1024xf32, #tpu.memory_space<hbm>> -> memref<32x1024xf32, #tpu.memory_space<hbm>>
        tpu.wait_dma2 semaphore(%run_scoped3A : memref<!tpu.dma_semaphore, #tpu.memory_space<semaphore_mem>>) src(%arg7 : memref<32x1024xf32, #tpu.memory_space<vmem>>) dst(%dma_wait3A_29 : memref<32x1024xf32, #tpu.memory_space<hbm>>)
        tpu.yield
      }) : () -> ()
      "tpu.region"() ({
        %run_scoped3A = tpu.sem_alloc : memref<!tpu.dma_semaphore, #tpu.memory_space<semaphore_mem>>
        %dma_start3A_22 = arith.constant 0 : i32
        %dma_start3A_23 = tpu.memref_slice %arg6[%multiple_of3A, %dma_start3A_22] : memref<4096x1024xf32, #tpu.memory_space<hbm>> -> memref<32x1024xf32, #tpu.memory_space<hbm>>
        %dma_start3A_24 = arith.constant 0 : i32
        %dma_start3A_25 = tpu.memref_slice %arg6[%multiple_of3A, %dma_start3A_24] : memref<4096x1024xf32, #tpu.memory_space<hbm>> -> memref<32x1024xf32, #tpu.memory_space<hbm>>
        tpu.enqueue_dma source(%arg8 : memref<32x1024xf32, #tpu.memory_space<vmem>>) target(%dma_start3A_25 : memref<32x1024xf32, #tpu.memory_space<hbm>>) target_semaphore(%run_scoped3A : memref<!tpu.dma_semaphore, #tpu.memory_space<semaphore_mem>>)
        %dma_wait3A_26 = arith.constant 0 : i32
        %dma_wait3A_27 = tpu.memref_slice %arg6[%multiple_of3A, %dma_wait3A_26] : memref<4096x1024xf32, #tpu.memory_space<hbm>> -> memref<32x1024xf32, #tpu.memory_space<hbm>>
        %dma_wait3A_28 = arith.constant 0 : i32
        %dma_wait3A_29 = tpu.memref_slice %arg6[%multiple_of3A, %dma_wait3A_28] : memref<4096x1024xf32, #tpu.memory_space<hbm>> -> memref<32x1024xf32, #tpu.memory_space<hbm>>
        tpu.wait_dma2 semaphore(%run_scoped3A : memref<!tpu.dma_semaphore, #tpu.memory_space<semaphore_mem>>) src(%arg8 : memref<32x1024xf32, #tpu.memory_space<vmem>>) dst(%dma_wait3A_29 : memref<32x1024xf32, #tpu.memory_space<hbm>>)
        tpu.yield
      }) : () -> ()
    }
    %scan3A_5 = arith.constant 4 : i32
    return
  }
}

module attributes {stable_mosaic.version = 14 : i64} {
  func.func @_expert_body(%arg0: i32, %arg1: memref<80x1024xf32, #tpu.memory_space<vmem>>, %arg2: memref<1x1024x1024xf32, #tpu.memory_space<vmem>>, %arg3: memref<1x1x1024xf32, #tpu.memory_space<vmem>>, %arg4: memref<1x1024x512xf32, #tpu.memory_space<vmem>>, %arg5: memref<1x1x512xf32, #tpu.memory_space<vmem>>, %arg6: memref<80x1024xf32, #tpu.memory_space<vmem>>) attributes {dimension_semantics = [#tpu.dimension_semantics<arbitrary>], iteration_bounds = array<i64: 64>, scalar_prefetch = 0 : i64, scratch_operands = 0 : i64, tpu.core_type = #tpu.core_type<tc>, window_params = [{transform_indices = @transform_0, window_bounds = array<i64: 80, 1024>}, {transform_indices = @transform_1, window_bounds = array<i64: 1, 1024, 1024>}, {transform_indices = @transform_2, window_bounds = array<i64: 1, 1, 1024>}, {transform_indices = @transform_3, window_bounds = array<i64: 1, 1024, 512>}, {transform_indices = @transform_4, window_bounds = array<i64: 1, 1, 512>}, {transform_indices = @transform_5, window_bounds = array<i64: 80, 1024>}]} {
    %get3A = arith.constant 0 : index
    %get3A_0 = arith.constant 0 : index
    %get3A_1 = vector.load %arg1[%get3A, %get3A_0] : memref<80x1024xf32, #tpu.memory_space<vmem>>, vector<80x1024xf32>
    %get3A_2 = arith.constant 0 : index
    %get3A_3 = arith.constant 0 : index
    %get3A_4 = arith.constant 0 : index
    %get3A_5 = vector.load %arg2[%get3A_2, %get3A_3, %get3A_4] : memref<1x1024x1024xf32, #tpu.memory_space<vmem>>, vector<1x1024x1024xf32>
    %get3A_6 = vector.shape_cast %get3A_5 : vector<1x1024x1024xf32> to vector<1024x1024xf32>
    %get3A_7 = arith.constant 0 : index
    %get3A_8 = arith.constant 0 : index
    %get3A_9 = arith.constant 0 : index
    %get3A_10 = vector.load %arg3[%get3A_7, %get3A_8, %get3A_9] : memref<1x1x1024xf32, #tpu.memory_space<vmem>>, vector<1x1x1024xf32>
    %get3A_11 = vector.shape_cast %get3A_10 : vector<1x1x1024xf32> to vector<1x1024xf32>
    %get3A_12 = arith.constant 0 : index
    %get3A_13 = arith.constant 0 : index
    %get3A_14 = arith.constant 0 : index
    %get3A_15 = vector.load %arg4[%get3A_12, %get3A_13, %get3A_14] : memref<1x1024x512xf32, #tpu.memory_space<vmem>>, vector<1x1024x512xf32>
    %get3A_16 = vector.shape_cast %get3A_15 : vector<1x1024x512xf32> to vector<1024x512xf32>
    %get3A_17 = arith.constant 0 : index
    %get3A_18 = arith.constant 0 : index
    %get3A_19 = arith.constant 0 : index
    %get3A_20 = vector.load %arg5[%get3A_17, %get3A_18, %get3A_19] : memref<1x1x512xf32, #tpu.memory_space<vmem>>, vector<1x1x512xf32>
    %get3A_21 = vector.shape_cast %get3A_20 : vector<1x1x512xf32> to vector<1x512xf32>
    %mul3A = arith.mulf %get3A_1, %get3A_1 : vector<80x1024xf32>
    %reduce_sum3A = arith.constant dense<0.000000e+00> : vector<80xf32>
    %reduce_sum3A_22 = vector.multi_reduction <add>, %mul3A, %reduce_sum3A [1] : vector<80x1024xf32> to vector<80xf32>
    %broadcast_in_dim3A = vector.shape_cast %reduce_sum3A_22 : vector<80xf32> to vector<80x1xf32>
    %div3A = arith.constant 1.024000e+03 : f32
    %div3A_23 = vector.broadcast %div3A : f32 to vector<80x1xf32>
    %div3A_24 = arith.divf %broadcast_in_dim3A, %div3A_23 : vector<80x1xf32>
    %add3A = arith.constant 9.99999993E-9 : f32
    %add3A_25 = vector.broadcast %add3A : f32 to vector<80x1xf32>
    %add3A_26 = arith.addf %div3A_24, %add3A_25 : vector<80x1xf32>
    %rsqrt3A = math.rsqrt %add3A_26 : vector<80x1xf32>
    %mul3A_27 = vector.broadcast %rsqrt3A : vector<80x1xf32> to vector<80x1024xf32>
    %mul3A_28 = arith.mulf %get3A_1, %mul3A_27 : vector<80x1024xf32>
    %mul3A_29 = vector.broadcast %get3A_11 : vector<1x1024xf32> to vector<80x1024xf32>
    %mul3A_30 = arith.mulf %mul3A_28, %mul3A_29 : vector<80x1024xf32>
    %abs3A = math.absf %mul3A_30 : vector<80x1024xf32>
    %reduce_max3A = arith.constant dense<0xFF800000> : vector<80xf32>
    %reduce_max3A_31 = vector.multi_reduction <maximumf>, %abs3A, %reduce_max3A [1] : vector<80x1024xf32> to vector<80xf32>
    %broadcast_in_dim3A_32 = vector.shape_cast %reduce_max3A_31 : vector<80xf32> to vector<80x1xf32>
    %jit3A = arith.constant 9.99999974E-6 : f32
    %max3A = vector.broadcast %jit3A : f32 to vector<80x1xf32>
    %max3A_33 = arith.maximumf %max3A, %broadcast_in_dim3A_32 : vector<80x1xf32>
    %div3A_34 = arith.constant 1.270000e+02 : f32
    %div3A_35 = vector.broadcast %div3A_34 : f32 to vector<80x1xf32>
    %div3A_36 = arith.divf %div3A_35, %max3A_33 : vector<80x1xf32>
    %mul3A_37 = vector.broadcast %div3A_36 : vector<80x1xf32> to vector<80x1024xf32>
    %mul3A_38 = arith.mulf %mul3A_30, %mul3A_37 : vector<80x1024xf32>
    %round3A = math.roundeven %mul3A_38 : vector<80x1024xf32>
    %jit3A_39 = arith.constant -1.280000e+02 : f32
    %jit3A_40 = arith.constant 1.270000e+02 : f32
    %max3A_41 = vector.broadcast %jit3A_39 : f32 to vector<80x1024xf32>
    %max3A_42 = arith.maximumf %max3A_41, %round3A : vector<80x1024xf32>
    %min3A = vector.broadcast %jit3A_40 : f32 to vector<80x1024xf32>
    %min3A_43 = arith.minimumf %min3A, %max3A_42 : vector<80x1024xf32>
    %div3A_44 = vector.broadcast %div3A_36 : vector<80x1xf32> to vector<80x1024xf32>
    %div3A_45 = arith.divf %min3A_43, %div3A_44 : vector<80x1024xf32>
    %convert_element_type3A = arith.truncf %div3A_45 : vector<80x1024xf32> to vector<80x1024xbf16>
    %abs3A_46 = math.absf %get3A_6 : vector<1024x1024xf32>
    %reduce_sum3A_47 = arith.constant dense<0.000000e+00> : vector<1024xf32>
    %reduce_sum3A_48 = vector.multi_reduction <add>, %abs3A_46, %reduce_sum3A_47 [0] : vector<1024x1024xf32> to vector<1024xf32>
    %broadcast_in_dim3A_49 = vector.shape_cast %reduce_sum3A_48 : vector<1024xf32> to vector<1x1024xf32>
    %reduce_sum3A_50 = arith.constant dense<0.000000e+00> : vector<1xf32>
    %reduce_sum3A_51 = vector.multi_reduction <add>, %broadcast_in_dim3A_49, %reduce_sum3A_50 [1] : vector<1x1024xf32> to vector<1xf32>
    %broadcast_in_dim3A_52 = vector.shape_cast %reduce_sum3A_51 : vector<1xf32> to vector<1x1xf32>
    %mul3A_53 = arith.constant 9.53674316E-7 : f32
    %mul3A_54 = vector.broadcast %mul3A_53 : f32 to vector<1x1xf32>
    %mul3A_55 = arith.mulf %broadcast_in_dim3A_52, %mul3A_54 : vector<1x1xf32>
    %jit3A_56 = arith.constant 9.99999974E-6 : f32
    %max3A_57 = vector.broadcast %jit3A_56 : f32 to vector<1x1xf32>
    %max3A_58 = arith.maximumf %max3A_57, %mul3A_55 : vector<1x1xf32>
    %div3A_59 = arith.constant 1.000000e+00 : f32
    %div3A_60 = vector.broadcast %div3A_59 : f32 to vector<1x1xf32>
    %div3A_61 = arith.divf %div3A_60, %max3A_58 : vector<1x1xf32>
    %div3A_62 = arith.constant 5.000000e-01 : f32
    %div3A_63 = vector.broadcast %div3A_62 : f32 to vector<1x1xf32>
    %div3A_64 = arith.divf %div3A_63, %div3A_61 : vector<1x1xf32>
    %div3A_65 = arith.constant 1.000000e+00 : f32
    %div3A_66 = vector.broadcast %div3A_65 : f32 to vector<1x1xf32>
    %div3A_67 = arith.divf %div3A_66, %div3A_61 : vector<1x1xf32>
    %gt3A = vector.broadcast %div3A_64 : vector<1x1xf32> to vector<1024x1024xf32>
    %gt3A_68 = arith.cmpf ogt, %get3A_6, %gt3A : vector<1024x1024xf32>
    %neg3A = arith.constant 0.000000e+00 : f32
    %neg3A_69 = vector.broadcast %neg3A : f32 to vector<1x1xf32>
    %neg3A_70 = arith.subf %neg3A_69, %div3A_64 : vector<1x1xf32>
    %lt3A = vector.broadcast %neg3A_70 : vector<1x1xf32> to vector<1024x1024xf32>
    %lt3A_71 = arith.cmpf olt, %get3A_6, %lt3A : vector<1024x1024xf32>
    %neg3A_72 = arith.constant 0.000000e+00 : f32
    %neg3A_73 = vector.broadcast %neg3A_72 : f32 to vector<1x1xf32>
    %neg3A_74 = arith.subf %neg3A_73, %div3A_67 : vector<1x1xf32>
    %jit3A_75 = arith.constant 0.000000e+00 : f32
    %broadcast_in_dim3A_76 = vector.shape_cast %neg3A_74 : vector<1x1xf32> to vector<1x1xf32>
    %broadcast_in_dim3A_77 = vector.broadcast %broadcast_in_dim3A_76 : vector<1x1xf32> to vector<1024x1024xf32>
    %broadcast_in_dim3A_78 = vector.broadcast %jit3A_75 : f32 to vector<1024x1024xf32>
    %select_n3A = arith.select %lt3A_71, %broadcast_in_dim3A_77, %broadcast_in_dim3A_78 : vector<1024x1024xi1>, vector<1024x1024xf32>
    %broadcast_in_dim3A_79 = vector.shape_cast %div3A_67 : vector<1x1xf32> to vector<1x1xf32>
    %broadcast_in_dim3A_80 = vector.broadcast %broadcast_in_dim3A_79 : vector<1x1xf32> to vector<1024x1024xf32>
    %select_n3A_81 = arith.select %gt3A_68, %broadcast_in_dim3A_80, %select_n3A : vector<1024x1024xi1>, vector<1024x1024xf32>
    %convert_element_type3A_82 = arith.truncf %select_n3A_81 : vector<1024x1024xf32> to vector<1024x1024xbf16>
    %dot_general3A = arith.constant dense<0.000000e+00> : vector<80x1024xf32>
    %dot_general3A_83 = tpu.matmul %convert_element_type3A, %convert_element_type3A_82, %dot_general3A {dimension_numbers = #tpu.dot_dimension_numbers<[1], [1], [0], [0], [0, 0, 1, 0], [], []>, transpose_lhs_hint = false} : vector<80x1024xbf16>, vector<1024x1024xbf16>, vector<80x1024xf32> -> vector<80x1024xf32>
    %slice3A = vector.extract_strided_slice %dot_general3A_83 {offsets = [0, 0], sizes = [80, 512], strides = [1, 1]} : vector<80x1024xf32> to vector<80x512xf32>
    %slice3A_84 = vector.extract_strided_slice %dot_general3A_83 {offsets = [0, 512], sizes = [80, 512], strides = [1, 1]} : vector<80x1024xf32> to vector<80x512xf32>
    %logistic3A = arith.negf %slice3A : vector<80x512xf32>
    %logistic3A_85 = math.exp %logistic3A : vector<80x512xf32>
    %logistic3A_86 = arith.constant 1.000000e+00 : f32
    %logistic3A_87 = vector.broadcast %logistic3A_86 : f32 to vector<80x512xf32>
    %logistic3A_88 = arith.addf %logistic3A_87, %logistic3A_85 : vector<80x512xf32>
    %logistic3A_89 = arith.divf %logistic3A_87, %logistic3A_88 : vector<80x512xf32>
    %mul3A_90 = arith.mulf %slice3A, %logistic3A_89 : vector<80x512xf32>
    %mul3A_91 = arith.mulf %mul3A_90, %slice3A_84 : vector<80x512xf32>
    %mul3A_92 = arith.mulf %mul3A_91, %mul3A_91 : vector<80x512xf32>
    %reduce_sum3A_93 = arith.constant dense<0.000000e+00> : vector<80xf32>
    %reduce_sum3A_94 = vector.multi_reduction <add>, %mul3A_92, %reduce_sum3A_93 [1] : vector<80x512xf32> to vector<80xf32>
    %broadcast_in_dim3A_95 = vector.shape_cast %reduce_sum3A_94 : vector<80xf32> to vector<80x1xf32>
    %div3A_96 = arith.constant 5.120000e+02 : f32
    %div3A_97 = vector.broadcast %div3A_96 : f32 to vector<80x1xf32>
    %div3A_98 = arith.divf %broadcast_in_dim3A_95, %div3A_97 : vector<80x1xf32>
    %add3A_99 = arith.constant 9.99999993E-9 : f32
    %add3A_100 = vector.broadcast %add3A_99 : f32 to vector<80x1xf32>
    %add3A_101 = arith.addf %div3A_98, %add3A_100 : vector<80x1xf32>
    %rsqrt3A_102 = math.rsqrt %add3A_101 : vector<80x1xf32>
    %mul3A_103 = vector.broadcast %rsqrt3A_102 : vector<80x1xf32> to vector<80x512xf32>
    %mul3A_104 = arith.mulf %mul3A_91, %mul3A_103 : vector<80x512xf32>
    %mul3A_105 = vector.broadcast %get3A_21 : vector<1x512xf32> to vector<80x512xf32>
    %mul3A_106 = arith.mulf %mul3A_104, %mul3A_105 : vector<80x512xf32>
    %abs3A_107 = math.absf %mul3A_106 : vector<80x512xf32>
    %reduce_max3A_108 = arith.constant dense<0xFF800000> : vector<80xf32>
    %reduce_max3A_109 = vector.multi_reduction <maximumf>, %abs3A_107, %reduce_max3A_108 [1] : vector<80x512xf32> to vector<80xf32>
    %broadcast_in_dim3A_110 = vector.shape_cast %reduce_max3A_109 : vector<80xf32> to vector<80x1xf32>
    %jit3A_111 = arith.constant 9.99999974E-6 : f32
    %max3A_112 = vector.broadcast %jit3A_111 : f32 to vector<80x1xf32>
    %max3A_113 = arith.maximumf %max3A_112, %broadcast_in_dim3A_110 : vector<80x1xf32>
    %div3A_114 = arith.constant 1.270000e+02 : f32
    %div3A_115 = vector.broadcast %div3A_114 : f32 to vector<80x1xf32>
    %div3A_116 = arith.divf %div3A_115, %max3A_113 : vector<80x1xf32>
    %mul3A_117 = vector.broadcast %div3A_116 : vector<80x1xf32> to vector<80x512xf32>
    %mul3A_118 = arith.mulf %mul3A_106, %mul3A_117 : vector<80x512xf32>
    %round3A_119 = math.roundeven %mul3A_118 : vector<80x512xf32>
    %jit3A_120 = arith.constant -1.280000e+02 : f32
    %jit3A_121 = arith.constant 1.270000e+02 : f32
    %max3A_122 = vector.broadcast %jit3A_120 : f32 to vector<80x512xf32>
    %max3A_123 = arith.maximumf %max3A_122, %round3A_119 : vector<80x512xf32>
    %min3A_124 = vector.broadcast %jit3A_121 : f32 to vector<80x512xf32>
    %min3A_125 = arith.minimumf %min3A_124, %max3A_123 : vector<80x512xf32>
    %div3A_126 = vector.broadcast %div3A_116 : vector<80x1xf32> to vector<80x512xf32>
    %div3A_127 = arith.divf %min3A_125, %div3A_126 : vector<80x512xf32>
    %convert_element_type3A_128 = arith.truncf %div3A_127 : vector<80x512xf32> to vector<80x512xbf16>
    %abs3A_129 = math.absf %get3A_16 : vector<1024x512xf32>
    %reduce_sum3A_130 = arith.constant dense<0.000000e+00> : vector<512xf32>
    %reduce_sum3A_131 = vector.multi_reduction <add>, %abs3A_129, %reduce_sum3A_130 [0] : vector<1024x512xf32> to vector<512xf32>
    %broadcast_in_dim3A_132 = vector.shape_cast %reduce_sum3A_131 : vector<512xf32> to vector<1x512xf32>
    %reduce_sum3A_133 = arith.constant dense<0.000000e+00> : vector<1xf32>
    %reduce_sum3A_134 = vector.multi_reduction <add>, %broadcast_in_dim3A_132, %reduce_sum3A_133 [1] : vector<1x512xf32> to vector<1xf32>
    %broadcast_in_dim3A_135 = vector.shape_cast %reduce_sum3A_134 : vector<1xf32> to vector<1x1xf32>
    %mul3A_136 = arith.constant 1.90734863E-6 : f32
    %mul3A_137 = vector.broadcast %mul3A_136 : f32 to vector<1x1xf32>
    %mul3A_138 = arith.mulf %broadcast_in_dim3A_135, %mul3A_137 : vector<1x1xf32>
    %jit3A_139 = arith.constant 9.99999974E-6 : f32
    %max3A_140 = vector.broadcast %jit3A_139 : f32 to vector<1x1xf32>
    %max3A_141 = arith.maximumf %max3A_140, %mul3A_138 : vector<1x1xf32>
    %div3A_142 = arith.constant 1.000000e+00 : f32
    %div3A_143 = vector.broadcast %div3A_142 : f32 to vector<1x1xf32>
    %div3A_144 = arith.divf %div3A_143, %max3A_141 : vector<1x1xf32>
    %div3A_145 = arith.constant 5.000000e-01 : f32
    %div3A_146 = vector.broadcast %div3A_145 : f32 to vector<1x1xf32>
    %div3A_147 = arith.divf %div3A_146, %div3A_144 : vector<1x1xf32>
    %div3A_148 = arith.constant 1.000000e+00 : f32
    %div3A_149 = vector.broadcast %div3A_148 : f32 to vector<1x1xf32>
    %div3A_150 = arith.divf %div3A_149, %div3A_144 : vector<1x1xf32>
    %gt3A_151 = vector.broadcast %div3A_147 : vector<1x1xf32> to vector<1024x512xf32>
    %gt3A_152 = arith.cmpf ogt, %get3A_16, %gt3A_151 : vector<1024x512xf32>
    %neg3A_153 = arith.constant 0.000000e+00 : f32
    %neg3A_154 = vector.broadcast %neg3A_153 : f32 to vector<1x1xf32>
    %neg3A_155 = arith.subf %neg3A_154, %div3A_147 : vector<1x1xf32>
    %lt3A_156 = vector.broadcast %neg3A_155 : vector<1x1xf32> to vector<1024x512xf32>
    %lt3A_157 = arith.cmpf olt, %get3A_16, %lt3A_156 : vector<1024x512xf32>
    %neg3A_158 = arith.constant 0.000000e+00 : f32
    %neg3A_159 = vector.broadcast %neg3A_158 : f32 to vector<1x1xf32>
    %neg3A_160 = arith.subf %neg3A_159, %div3A_150 : vector<1x1xf32>
    %jit3A_161 = arith.constant 0.000000e+00 : f32
    %broadcast_in_dim3A_162 = vector.shape_cast %neg3A_160 : vector<1x1xf32> to vector<1x1xf32>
    %broadcast_in_dim3A_163 = vector.broadcast %broadcast_in_dim3A_162 : vector<1x1xf32> to vector<1024x512xf32>
    %broadcast_in_dim3A_164 = vector.broadcast %jit3A_161 : f32 to vector<1024x512xf32>
    %select_n3A_165 = arith.select %lt3A_157, %broadcast_in_dim3A_163, %broadcast_in_dim3A_164 : vector<1024x512xi1>, vector<1024x512xf32>
    %broadcast_in_dim3A_166 = vector.shape_cast %div3A_150 : vector<1x1xf32> to vector<1x1xf32>
    %broadcast_in_dim3A_167 = vector.broadcast %broadcast_in_dim3A_166 : vector<1x1xf32> to vector<1024x512xf32>
    %select_n3A_168 = arith.select %gt3A_152, %broadcast_in_dim3A_167, %select_n3A_165 : vector<1024x512xi1>, vector<1024x512xf32>
    %convert_element_type3A_169 = arith.truncf %select_n3A_168 : vector<1024x512xf32> to vector<1024x512xbf16>
    %dot_general3A_170 = arith.constant dense<0.000000e+00> : vector<80x1024xf32>
    %dot_general3A_171 = tpu.matmul %convert_element_type3A_128, %convert_element_type3A_169, %dot_general3A_170 {dimension_numbers = #tpu.dot_dimension_numbers<[1], [1], [0], [0], [0, 0, 1, 0], [], []>, transpose_lhs_hint = false} : vector<80x512xbf16>, vector<1024x512xbf16>, vector<80x1024xf32> -> vector<80x1024xf32>
    %swap3A = arith.constant 0 : index
    %swap3A_172 = arith.constant 0 : index
    %swap3A_173 = vector.load %arg6[%swap3A, %swap3A_172] : memref<80x1024xf32, #tpu.memory_space<vmem>>, vector<80x1024xf32>
    tpu.vector_store %arg6[%swap3A, %swap3A_172], %dot_general3A_171 {strides = array<i32>} : memref<80x1024xf32, #tpu.memory_space<vmem>>, vector<80x1024xf32>,
    return
  }
  func.func @transform_0(%arg0: i32) -> (i32, i32) {
    %c0_i32 = arith.constant 0 : i32
    %c0_i32_0 = arith.constant 0 : i32
    return %arg0, %c0_i32 : i32, i32
  }
  func.func @transform_1(%arg0: i32) -> (i32, i32, i32) {
    %c0_i32 = arith.constant 0 : i32
    %c0_i32_0 = arith.constant 0 : i32
    %c0_i32_1 = arith.constant 0 : i32
    return %arg0, %c0_i32, %c0_i32_0 : i32, i32, i32
  }
  func.func @transform_2(%arg0: i32) -> (i32, i32, i32) {
    %c0_i32 = arith.constant 0 : i32
    %c0_i32_0 = arith.constant 0 : i32
    %c0_i32_1 = arith.constant 0 : i32
    return %arg0, %c0_i32, %c0_i32_0 : i32, i32, i32
  }
  func.func @transform_3(%arg0: i32) -> (i32, i32, i32) {
    %c0_i32 = arith.constant 0 : i32
    %c0_i32_0 = arith.constant 0 : i32
    %c0_i32_1 = arith.constant 0 : i32
    return %arg0, %c0_i32, %c0_i32_0 : i32, i32, i32
  }
  func.func @transform_4(%arg0: i32) -> (i32, i32, i32) {
    %c0_i32 = arith.constant 0 : i32
    %c0_i32_0 = arith.constant 0 : i32
    %c0_i32_1 = arith.constant 0 : i32
    return %arg0, %c0_i32, %c0_i32_0 : i32, i32, i32
  }
  func.func @transform_5(%arg0: i32) -> (i32, i32) {
    %c0_i32 = arith.constant 0 : i32
    %c0_i32_0 = arith.constant 0 : i32
    return %arg0, %c0_i32 : i32, i32
  }
}

module attributes {stable_mosaic.version = 14 : i64} {
  func.func @_router_body(%arg0: i32, %arg1: memref<512x1024xf32, #tpu.memory_space<vmem>>, %arg2: memref<1x1024xf32, #tpu.memory_space<vmem>>, %arg3: memref<64x1024xf32, #tpu.memory_space<vmem>>, %arg4: memref<512xi32, #tpu.memory_space<vmem>>, %arg5: memref<512xi32, #tpu.memory_space<vmem>>, %arg6: memref<512xi32, #tpu.memory_space<vmem>>, %arg7: memref<512xi32, #tpu.memory_space<vmem>>, %arg8: memref<512x2xf32, #tpu.memory_space<vmem>>, %arg9: memref<8x64xf32, #tpu.memory_space<vmem>>) attributes {dimension_semantics = [#tpu.dimension_semantics<arbitrary>], iteration_bounds = array<i64: 8>, scalar_prefetch = 0 : i64, scratch_operands = 1 : i64, tpu.core_type = #tpu.core_type<tc>, window_params = [{transform_indices = @transform_0, window_bounds = array<i64: 512, 1024>}, {pipeline_mode = #tpu.pipeline_mode<synchronous>, transform_indices = @transform_1, window_bounds = array<i64: 1, 1024>}, {pipeline_mode = #tpu.pipeline_mode<synchronous>, transform_indices = @transform_2, window_bounds = array<i64: 64, 1024>}, {transform_indices = @transform_3, window_bounds = array<i64: 512>}, {transform_indices = @transform_4, window_bounds = array<i64: 512>}, {transform_indices = @transform_5, window_bounds = array<i64: 512>}, {transform_indices = @transform_6, window_bounds = array<i64: 512>}, {transform_indices = @transform_7, window_bounds = array<i64: 512, 2>}]} {
    %eq3A = arith.constant 0 : i32
    %eq3A_0 = arith.cmpi eq, %arg0, %eq3A : i32
    %convert_element_type3A = arith.extui %eq3A_0 : i1 to i32
    %cond3A = arith.constant 0 : i32
    %cond3A_1 = arith.cmpi ne, %convert_element_type3A, %cond3A : i32
    scf.if %cond3A_1 {
      %broadcast_in_dim3A_176 = arith.constant 0.000000e+00 : f32
      %broadcast_in_dim3A_177 = vector.broadcast %broadcast_in_dim3A_176 : f32 to vector<8x64xf32>
      %swap3A_178 = arith.constant 0 : index
      %swap3A_179 = arith.constant 0 : index
      %swap3A_180 = vector.load %arg9[%swap3A_178, %swap3A_179] : memref<8x64xf32, #tpu.memory_space<vmem>>, vector<8x64xf32>
      tpu.vector_store %arg9[%swap3A_178, %swap3A_179], %broadcast_in_dim3A_177 {strides = array<i32>} : memref<8x64xf32, #tpu.memory_space<vmem>>, vector<8x64xf32>,
    } else {
    }
    %get3A = arith.constant 0 : index
    %get3A_2 = arith.constant 0 : index
    %get3A_3 = vector.load %arg1[%get3A, %get3A_2] : memref<512x1024xf32, #tpu.memory_space<vmem>>, vector<512x1024xf32>
    %mul3A = arith.mulf %get3A_3, %get3A_3 : vector<512x1024xf32>
    %reduce_sum3A = arith.constant dense<0.000000e+00> : vector<512xf32>
    %reduce_sum3A_4 = vector.multi_reduction <add>, %mul3A, %reduce_sum3A [1] : vector<512x1024xf32> to vector<512xf32>
    %broadcast_in_dim3A = vector.shape_cast %reduce_sum3A_4 : vector<512xf32> to vector<512x1xf32>
    %div3A = arith.constant 1.024000e+03 : f32
    %div3A_5 = vector.broadcast %div3A : f32 to vector<512x1xf32>
    %div3A_6 = arith.divf %broadcast_in_dim3A, %div3A_5 : vector<512x1xf32>
    %add3A = arith.constant 9.99999997E-7 : f32
    %add3A_7 = vector.broadcast %add3A : f32 to vector<512x1xf32>
    %add3A_8 = arith.addf %div3A_6, %add3A_7 : vector<512x1xf32>
    %rsqrt3A = math.rsqrt %add3A_8 : vector<512x1xf32>
    %mul3A_9 = vector.broadcast %rsqrt3A : vector<512x1xf32> to vector<512x1024xf32>
    %mul3A_10 = arith.mulf %get3A_3, %mul3A_9 : vector<512x1024xf32>
    %get3A_11 = arith.constant 0 : index
    %get3A_12 = arith.constant 0 : index
    %get3A_13 = vector.load %arg2[%get3A_11, %get3A_12] : memref<1x1024xf32, #tpu.memory_space<vmem>>, vector<1x1024xf32>
    %mul3A_14 = vector.broadcast %get3A_13 : vector<1x1024xf32> to vector<512x1024xf32>
    %mul3A_15 = arith.mulf %mul3A_10, %mul3A_14 : vector<512x1024xf32>
    %convert_element_type3A_16 = arith.truncf %mul3A_15 : vector<512x1024xf32> to vector<512x1024xbf16>
    %get3A_17 = arith.constant 0 : index
    %get3A_18 = arith.constant 0 : index
    %get3A_19 = vector.load %arg3[%get3A_17, %get3A_18] : memref<64x1024xf32, #tpu.memory_space<vmem>>, vector<64x1024xf32>
    %convert_element_type3A_20 = arith.truncf %get3A_19 : vector<64x1024xf32> to vector<64x1024xbf16>
    %dot_general3A = arith.constant dense<0.000000e+00> : vector<512x64xf32>
    %dot_general3A_21 = tpu.matmul %convert_element_type3A_16, %convert_element_type3A_20, %dot_general3A {dimension_numbers = #tpu.dot_dimension_numbers<[1], [1], [0], [0], [0, 0, 1, 0], [], []>, transpose_lhs_hint = false} : vector<512x1024xbf16>, vector<64x1024xbf16>, vector<512x64xf32> -> vector<512x64xf32>
    %reduce_max3A = arith.constant dense<0xFF800000> : vector<512xf32>
    %reduce_max3A_22 = vector.multi_reduction <maximumf>, %dot_general3A_21, %reduce_max3A [1] : vector<512x64xf32> to vector<512xf32>
    %broadcast_in_dim3A_23 = vector.shape_cast %reduce_max3A_22 : vector<512xf32> to vector<512x1xf32>
    %sub3A = vector.broadcast %broadcast_in_dim3A_23 : vector<512x1xf32> to vector<512x64xf32>
    %sub3A_24 = arith.subf %dot_general3A_21, %sub3A : vector<512x64xf32>
    %exp3A = math.exp %sub3A_24 : vector<512x64xf32>
    %reduce_sum3A_25 = arith.constant dense<0.000000e+00> : vector<512xf32>
    %reduce_sum3A_26 = vector.multi_reduction <add>, %exp3A, %reduce_sum3A_25 [1] : vector<512x64xf32> to vector<512xf32>
    %broadcast_in_dim3A_27 = vector.shape_cast %reduce_sum3A_26 : vector<512xf32> to vector<512x1xf32>
    %div3A_28 = vector.broadcast %broadcast_in_dim3A_27 : vector<512x1xf32> to vector<512x64xf32>
    %div3A_29 = arith.divf %exp3A, %div3A_28 : vector<512x64xf32>
    %iota3A = tpu.iota {dimensions = array<i32: 1>} : vector<512x64xi32>
    %reduce_max3A_30 = arith.constant dense<0xFF800000> : vector<512xf32>
    %reduce_max3A_31 = vector.multi_reduction <maximumf>, %div3A_29, %reduce_max3A_30 [1] : vector<512x64xf32> to vector<512xf32>
    %broadcast_in_dim3A_32 = vector.shape_cast %reduce_max3A_31 : vector<512xf32> to vector<512x1xf32>
    %eq3A_33 = vector.broadcast %broadcast_in_dim3A_32 : vector<512x1xf32> to vector<512x64xf32>
    %eq3A_34 = arith.cmpf oeq, %div3A_29, %eq3A_33 : vector<512x64xf32>
    %jit3A = arith.constant 64 : i32
    %broadcast_in_dim3A_35 = vector.broadcast %jit3A : i32 to vector<512x64xi32>
    %select_n3A = arith.select %eq3A_34, %iota3A, %broadcast_in_dim3A_35 : vector<512x64xi1>, vector<512x64xi32>
    %reduce_min3A = arith.constant dense<2147483647> : vector<512xi32>
    %reduce_min3A_36 = vector.multi_reduction <minsi>, %select_n3A, %reduce_min3A [1] : vector<512x64xi32> to vector<512xi32>
    %broadcast_in_dim3A_37 = vector.shape_cast %reduce_min3A_36 : vector<512xi32> to vector<512x1xi32>
    %eq3A_38 = vector.broadcast %broadcast_in_dim3A_37 : vector<512x1xi32> to vector<512x64xi32>
    %eq3A_39 = arith.cmpi eq, %iota3A, %eq3A_38 : vector<512x64xi32>
    %jit3A_40 = arith.constant -1.000000e+00 : f32
    %broadcast_in_dim3A_41 = vector.broadcast %jit3A_40 : f32 to vector<512x64xf32>
    %select_n3A_42 = arith.select %eq3A_39, %broadcast_in_dim3A_41, %div3A_29 : vector<512x64xi1>, vector<512x64xf32>
    %reduce_max3A_43 = arith.constant dense<0xFF800000> : vector<512xf32>
    %reduce_max3A_44 = vector.multi_reduction <maximumf>, %select_n3A_42, %reduce_max3A_43 [1] : vector<512x64xf32> to vector<512xf32>
    %broadcast_in_dim3A_45 = vector.shape_cast %reduce_max3A_44 : vector<512xf32> to vector<512x1xf32>
    %eq3A_46 = vector.broadcast %broadcast_in_dim3A_45 : vector<512x1xf32> to vector<512x64xf32>
    %eq3A_47 = arith.cmpf oeq, %select_n3A_42, %eq3A_46 : vector<512x64xf32>
    %jit3A_48 = arith.constant 64 : i32
    %broadcast_in_dim3A_49 = vector.broadcast %jit3A_48 : i32 to vector<512x64xi32>
    %select_n3A_50 = arith.select %eq3A_47, %iota3A, %broadcast_in_dim3A_49 : vector<512x64xi1>, vector<512x64xi32>
    %reduce_min3A_51 = arith.constant dense<2147483647> : vector<512xi32>
    %reduce_min3A_52 = vector.multi_reduction <minsi>, %select_n3A_50, %reduce_min3A_51 [1] : vector<512x64xi32> to vector<512xi32>
    %broadcast_in_dim3A_53 = vector.shape_cast %reduce_min3A_52 : vector<512xi32> to vector<512x1xi32>
    %eq3A_54 = vector.broadcast %broadcast_in_dim3A_53 : vector<512x1xi32> to vector<512x64xi32>
    %eq3A_55 = arith.cmpi eq, %iota3A, %eq3A_54 : vector<512x64xi32>
    %or3A = arith.ori %eq3A_39, %eq3A_55 : vector<512x64xi1>
    %convert_element_type3A_56 = arith.extui %or3A : vector<512x64xi1> to vector<512x64xi32>
    %convert_element_type3A_57 = arith.sitofp %convert_element_type3A_56 : vector<512x64xi32> to vector<512x64xf32>
    %broadcast_in_dim3A_58 = arith.constant 0.000000e+00 : f32
    %broadcast_in_dim3A_59 = vector.broadcast %broadcast_in_dim3A_58 : f32 to vector<1x64xf32>
    %slice3A = vector.extract_strided_slice %convert_element_type3A_57 {offsets = [0, 0], sizes = [511, 64], strides = [1, 1]} : vector<512x64xf32> to vector<511x64xf32>
    %concatenate3A = tpu.concatenate %broadcast_in_dim3A_59, %slice3A in 0 : vector<1x64xf32>, vector<511x64xf32> -> vector<512x64xf32>
    %add3A_60 = arith.addf %convert_element_type3A_57, %concatenate3A : vector<512x64xf32>
    %broadcast_in_dim3A_61 = arith.constant 0.000000e+00 : f32
    %broadcast_in_dim3A_62 = vector.broadcast %broadcast_in_dim3A_61 : f32 to vector<2x64xf32>
    %slice3A_63 = vector.extract_strided_slice %add3A_60 {offsets = [0, 0], sizes = [510, 64], strides = [1, 1]} : vector<512x64xf32> to vector<510x64xf32>
    %concatenate3A_64 = tpu.concatenate %broadcast_in_dim3A_62, %slice3A_63 in 0 : vector<2x64xf32>, vector<510x64xf32> -> vector<512x64xf32>
    %add3A_65 = arith.addf %add3A_60, %concatenate3A_64 : vector<512x64xf32>
    %broadcast_in_dim3A_66 = arith.constant 0.000000e+00 : f32
    %broadcast_in_dim3A_67 = vector.broadcast %broadcast_in_dim3A_66 : f32 to vector<4x64xf32>
    %slice3A_68 = vector.extract_strided_slice %add3A_65 {offsets = [0, 0], sizes = [508, 64], strides = [1, 1]} : vector<512x64xf32> to vector<508x64xf32>
    %concatenate3A_69 = tpu.concatenate %broadcast_in_dim3A_67, %slice3A_68 in 0 : vector<4x64xf32>, vector<508x64xf32> -> vector<512x64xf32>
    %add3A_70 = arith.addf %add3A_65, %concatenate3A_69 : vector<512x64xf32>
    %broadcast_in_dim3A_71 = arith.constant 0.000000e+00 : f32
    %broadcast_in_dim3A_72 = vector.broadcast %broadcast_in_dim3A_71 : f32 to vector<8x64xf32>
    %slice3A_73 = vector.extract_strided_slice %add3A_70 {offsets = [0, 0], sizes = [504, 64], strides = [1, 1]} : vector<512x64xf32> to vector<504x64xf32>
    %concatenate3A_74 = tpu.concatenate %broadcast_in_dim3A_72, %slice3A_73 in 0 : vector<8x64xf32>, vector<504x64xf32> -> vector<512x64xf32>
    %add3A_75 = arith.addf %add3A_70, %concatenate3A_74 : vector<512x64xf32>
    %broadcast_in_dim3A_76 = arith.constant 0.000000e+00 : f32
    %broadcast_in_dim3A_77 = vector.broadcast %broadcast_in_dim3A_76 : f32 to vector<16x64xf32>
    %slice3A_78 = vector.extract_strided_slice %add3A_75 {offsets = [0, 0], sizes = [496, 64], strides = [1, 1]} : vector<512x64xf32> to vector<496x64xf32>
    %concatenate3A_79 = tpu.concatenate %broadcast_in_dim3A_77, %slice3A_78 in 0 : vector<16x64xf32>, vector<496x64xf32> -> vector<512x64xf32>
    %add3A_80 = arith.addf %add3A_75, %concatenate3A_79 : vector<512x64xf32>
    %broadcast_in_dim3A_81 = arith.constant 0.000000e+00 : f32
    %broadcast_in_dim3A_82 = vector.broadcast %broadcast_in_dim3A_81 : f32 to vector<32x64xf32>
    %slice3A_83 = vector.extract_strided_slice %add3A_80 {offsets = [0, 0], sizes = [480, 64], strides = [1, 1]} : vector<512x64xf32> to vector<480x64xf32>
    %concatenate3A_84 = tpu.concatenate %broadcast_in_dim3A_82, %slice3A_83 in 0 : vector<32x64xf32>, vector<480x64xf32> -> vector<512x64xf32>
    %add3A_85 = arith.addf %add3A_80, %concatenate3A_84 : vector<512x64xf32>
    %broadcast_in_dim3A_86 = arith.constant 0.000000e+00 : f32
    %broadcast_in_dim3A_87 = vector.broadcast %broadcast_in_dim3A_86 : f32 to vector<64x64xf32>
    %slice3A_88 = vector.extract_strided_slice %add3A_85 {offsets = [0, 0], sizes = [448, 64], strides = [1, 1]} : vector<512x64xf32> to vector<448x64xf32>
    %concatenate3A_89 = tpu.concatenate %broadcast_in_dim3A_87, %slice3A_88 in 0 : vector<64x64xf32>, vector<448x64xf32> -> vector<512x64xf32>
    %add3A_90 = arith.addf %add3A_85, %concatenate3A_89 : vector<512x64xf32>
    %broadcast_in_dim3A_91 = arith.constant 0.000000e+00 : f32
    %broadcast_in_dim3A_92 = vector.broadcast %broadcast_in_dim3A_91 : f32 to vector<128x64xf32>
    %slice3A_93 = vector.extract_strided_slice %add3A_90 {offsets = [0, 0], sizes = [384, 64], strides = [1, 1]} : vector<512x64xf32> to vector<384x64xf32>
    %concatenate3A_94 = tpu.concatenate %broadcast_in_dim3A_92, %slice3A_93 in 0 : vector<128x64xf32>, vector<384x64xf32> -> vector<512x64xf32>
    %add3A_95 = arith.addf %add3A_90, %concatenate3A_94 : vector<512x64xf32>
    %broadcast_in_dim3A_96 = arith.constant 0.000000e+00 : f32
    %broadcast_in_dim3A_97 = vector.broadcast %broadcast_in_dim3A_96 : f32 to vector<256x64xf32>
    %slice3A_98 = vector.extract_strided_slice %add3A_95 {offsets = [0, 0], sizes = [256, 64], strides = [1, 1]} : vector<512x64xf32> to vector<256x64xf32>
    %concatenate3A_99 = tpu.concatenate %broadcast_in_dim3A_97, %slice3A_98 in 0 : vector<256x64xf32>, vector<256x64xf32> -> vector<512x64xf32>
    %add3A_100 = arith.addf %add3A_95, %concatenate3A_99 : vector<512x64xf32>
    %get3A_101 = arith.constant 0 : index
    %get3A_102 = arith.constant 0 : index
    %get3A_103 = vector.load %arg9[%get3A_101, %get3A_102] : memref<8x64xf32, #tpu.memory_space<vmem>>, vector<1x64xf32>
    %add3A_104 = vector.broadcast %get3A_103 : vector<1x64xf32> to vector<512x64xf32>
    %add3A_105 = arith.addf %add3A_104, %add3A_100 : vector<512x64xf32>
    %sub3A_106 = arith.subf %add3A_105, %convert_element_type3A_57 : vector<512x64xf32>
    %jit3A_107 = arith.constant 0.000000e+00 : f32
    %broadcast_in_dim3A_108 = vector.broadcast %jit3A_107 : f32 to vector<512x64xf32>
    %select_n3A_109 = arith.select %eq3A_39, %sub3A_106, %broadcast_in_dim3A_108 : vector<512x64xi1>, vector<512x64xf32>
    %reduce_sum3A_110 = arith.constant dense<0.000000e+00> : vector<512xf32>
    %reduce_sum3A_111 = vector.multi_reduction <add>, %select_n3A_109, %reduce_sum3A_110 [1] : vector<512x64xf32> to vector<512xf32>
    %broadcast_in_dim3A_112 = vector.shape_cast %reduce_sum3A_111 : vector<512xf32> to vector<512x1xf32>
    %jit3A_113 = arith.constant 0.000000e+00 : f32
    %broadcast_in_dim3A_114 = vector.broadcast %jit3A_113 : f32 to vector<512x64xf32>
    %select_n3A_115 = arith.select %eq3A_55, %sub3A_106, %broadcast_in_dim3A_114 : vector<512x64xi1>, vector<512x64xf32>
    %reduce_sum3A_116 = arith.constant dense<0.000000e+00> : vector<512xf32>
    %reduce_sum3A_117 = vector.multi_reduction <add>, %select_n3A_115, %reduce_sum3A_116 [1] : vector<512x64xf32> to vector<512xf32>
    %broadcast_in_dim3A_118 = vector.shape_cast %reduce_sum3A_117 : vector<512xf32> to vector<512x1xf32>
    %lt3A = arith.constant 8.000000e+01 : f32
    %lt3A_119 = vector.broadcast %lt3A : f32 to vector<512x1xf32>
    %lt3A_120 = arith.cmpf olt, %broadcast_in_dim3A_112, %lt3A_119 : vector<512x1xf32>
    %lt3A_121 = arith.constant 8.000000e+01 : f32
    %lt3A_122 = vector.broadcast %lt3A_121 : f32 to vector<512x1xf32>
    %lt3A_123 = arith.cmpf olt, %broadcast_in_dim3A_118, %lt3A_122 : vector<512x1xf32>
    %mul3A_124 = arith.constant 80 : i32
    %mul3A_125 = vector.broadcast %mul3A_124 : i32 to vector<512x1xi32>
    %mul3A_126 = arith.muli %broadcast_in_dim3A_37, %mul3A_125 : vector<512x1xi32>
    %convert_element_type3A_127 = arith.fptosi %broadcast_in_dim3A_112 : vector<512x1xf32> to vector<512x1xi32>
    %add3A_128 = arith.addi %mul3A_126, %convert_element_type3A_127 : vector<512x1xi32>
    %mul3A_129 = arith.constant 80 : i32
    %mul3A_130 = vector.broadcast %mul3A_129 : i32 to vector<512x1xi32>
    %mul3A_131 = arith.muli %broadcast_in_dim3A_53, %mul3A_130 : vector<512x1xi32>
    %convert_element_type3A_132 = arith.fptosi %broadcast_in_dim3A_118 : vector<512x1xf32> to vector<512x1xi32>
    %add3A_133 = arith.addi %mul3A_131, %convert_element_type3A_132 : vector<512x1xi32>
    %iota3A_134 = tpu.iota {dimensions = array<i32: 0>} : vector<512x1xi32>
    %mul3A_135 = arith.constant 512 : i32
    %mul3A_136 = arith.muli %arg0, %mul3A_135 : i32
    %add3A_137 = vector.broadcast %mul3A_136 : i32 to vector<512x1xi32>
    %add3A_138 = arith.addi %iota3A_134, %add3A_137 : vector<512x1xi32>
    %add3A_139 = arith.constant 5120 : i32
    %add3A_140 = vector.broadcast %add3A_139 : i32 to vector<512x1xi32>
    %add3A_141 = arith.addi %add3A_140, %add3A_138 : vector<512x1xi32>
    %select_n3A_142 = arith.select %lt3A_120, %add3A_128, %add3A_141 : vector<512x1xi1>, vector<512x1xi32>
    %squeeze3A = vector.shape_cast %select_n3A_142 : vector<512x1xi32> to vector<512xi32>
    %swap3A = arith.constant 0 : index
    %swap3A_143 = vector.load %arg4[%swap3A] : memref<512xi32, #tpu.memory_space<vmem>>, vector<512xi32>
    tpu.vector_store %arg4[%swap3A], %squeeze3A {strides = array<i32>} : memref<512xi32, #tpu.memory_space<vmem>>, vector<512xi32>,
    %add3A_144 = arith.constant 5120 : i32
    %add3A_145 = vector.broadcast %add3A_144 : i32 to vector<512x1xi32>
    %add3A_146 = arith.addi %add3A_145, %add3A_138 : vector<512x1xi32>
    %select_n3A_147 = arith.select %lt3A_123, %add3A_133, %add3A_146 : vector<512x1xi1>, vector<512x1xi32>
    %squeeze3A_148 = vector.shape_cast %select_n3A_147 : vector<512x1xi32> to vector<512xi32>
    %swap3A_149 = arith.constant 0 : index
    %swap3A_150 = vector.load %arg5[%swap3A_149] : memref<512xi32, #tpu.memory_space<vmem>>, vector<512xi32>
    tpu.vector_store %arg5[%swap3A_149], %squeeze3A_148 {strides = array<i32>} : memref<512xi32, #tpu.memory_space<vmem>>, vector<512xi32>,
    %select_n3A_151 = arith.select %lt3A_120, %add3A_128, %add3A_138 : vector<512x1xi1>, vector<512x1xi32>
    %squeeze3A_152 = vector.shape_cast %select_n3A_151 : vector<512x1xi32> to vector<512xi32>
    %swap3A_153 = arith.constant 0 : index
    %swap3A_154 = vector.load %arg6[%swap3A_153] : memref<512xi32, #tpu.memory_space<vmem>>, vector<512xi32>
    tpu.vector_store %arg6[%swap3A_153], %squeeze3A_152 {strides = array<i32>} : memref<512xi32, #tpu.memory_space<vmem>>, vector<512xi32>,
    %select_n3A_155 = arith.select %lt3A_123, %add3A_133, %add3A_138 : vector<512x1xi1>, vector<512x1xi32>
    %squeeze3A_156 = vector.shape_cast %select_n3A_155 : vector<512x1xi32> to vector<512xi32>
    %swap3A_157 = arith.constant 0 : index
    %swap3A_158 = vector.load %arg7[%swap3A_157] : memref<512xi32, #tpu.memory_space<vmem>>, vector<512xi32>
    tpu.vector_store %arg7[%swap3A_157], %squeeze3A_156 {strides = array<i32>} : memref<512xi32, #tpu.memory_space<vmem>>, vector<512xi32>,
    %jit3A_159 = arith.constant 0.000000e+00 : f32
    %broadcast_in_dim3A_160 = vector.broadcast %jit3A_159 : f32 to vector<512x1xf32>
    %select_n3A_161 = arith.select %lt3A_120, %broadcast_in_dim3A_32, %broadcast_in_dim3A_160 : vector<512x1xi1>, vector<512x1xf32>
    %jit3A_162 = arith.constant 0.000000e+00 : f32
    %broadcast_in_dim3A_163 = vector.broadcast %jit3A_162 : f32 to vector<512x1xf32>
    %select_n3A_164 = arith.select %lt3A_123, %broadcast_in_dim3A_45, %broadcast_in_dim3A_163 : vector<512x1xi1>, vector<512x1xf32>
    %concatenate3A_165 = tpu.concatenate %select_n3A_161, %select_n3A_164 in 1 : vector<512x1xf32>, vector<512x1xf32> -> vector<512x2xf32>
    %swap3A_166 = arith.constant 0 : index
    %swap3A_167 = arith.constant 0 : index
    %swap3A_168 = vector.load %arg8[%swap3A_166, %swap3A_167] : memref<512x2xf32, #tpu.memory_space<vmem>>, vector<512x2xf32>
    tpu.vector_store %arg8[%swap3A_166, %swap3A_167], %concatenate3A_165 {strides = array<i32>} : memref<512x2xf32, #tpu.memory_space<vmem>>, vector<512x2xf32>,
    %reduce_sum3A_169 = arith.constant dense<0.000000e+00> : vector<64xf32>
    %reduce_sum3A_170 = vector.multi_reduction <add>, %convert_element_type3A_57, %reduce_sum3A_169 [0] : vector<512x64xf32> to vector<64xf32>
    %broadcast_in_dim3A_171 = vector.shape_cast %reduce_sum3A_170 : vector<64xf32> to vector<1x64xf32>
    %add3A_172 = arith.addf %get3A_103, %broadcast_in_dim3A_171 : vector<1x64xf32>
    %swap3A_173 = arith.constant 0 : index
    %swap3A_174 = arith.constant 0 : index
    %swap3A_175 = vector.load %arg9[%swap3A_173, %swap3A_174] : memref<8x64xf32, #tpu.memory_space<vmem>>, vector<1x64xf32>
    tpu.vector_store %arg9[%swap3A_173, %swap3A_174], %add3A_172 {strides = array<i32>} : memref<8x64xf32, #tpu.memory_space<vmem>>, vector<1x64xf32>,
    return
  }
  func.func @transform_0(%arg0: i32) -> (i32, i32) {
    %c0_i32 = arith.constant 0 : i32
    %c0_i32_0 = arith.constant 0 : i32
    return %arg0, %c0_i32 : i32, i32
  }
  func.func @transform_1(%arg0: i32) -> (i32, i32) {
    %c0_i32 = arith.constant 0 : i32
    %c0_i32_0 = arith.constant 0 : i32
    %c0_i32_1 = arith.constant 0 : i32
    return %c0_i32, %c0_i32_0 : i32, i32
  }
  func.func @transform_2(%arg0: i32) -> (i32, i32) {
    %c0_i32 = arith.constant 0 : i32
    %c0_i32_0 = arith.constant 0 : i32
    %c0_i32_1 = arith.constant 0 : i32
    return %c0_i32, %c0_i32_0 : i32, i32
  }
  func.func @transform_3(%arg0: i32) -> i32 {
    %c0_i32 = arith.constant 0 : i32
    return %arg0 : i32
  }
  func.func @transform_4(%arg0: i32) -> i32 {
    %c0_i32 = arith.constant 0 : i32
    return %arg0 : i32
  }
  func.func @transform_5(%arg0: i32) -> i32 {
    %c0_i32 = arith.constant 0 : i32
    return %arg0 : i32
  }
  func.func @transform_6(%arg0: i32) -> i32 {
    %c0_i32 = arith.constant 0 : i32
    return %arg0 : i32
  }
  func.func @transform_7(%arg0: i32) -> (i32, i32) {
    %c0_i32 = arith.constant 0 : i32
    %c0_i32_0 = arith.constant 0 : i32
    return %arg0, %c0_i32 : i32, i32
  }
}

module attributes {stable_mosaic.version = 14 : i64} {
  func.func @_shared_body(%arg0: i32, %arg1: memref<512x1024xf32, #tpu.memory_space<vmem>>, %arg2: memref<1024x1024xf32, #tpu.memory_space<vmem>>, %arg3: memref<1x1024xf32, #tpu.memory_space<vmem>>, %arg4: memref<1024x512xf32, #tpu.memory_space<vmem>>, %arg5: memref<1x512xf32, #tpu.memory_space<vmem>>, %arg6: memref<512x1024xf32, #tpu.memory_space<vmem>>, %arg7: memref<512x1024xf32, #tpu.memory_space<vmem>>, %arg8: memref<512x2xf32, #tpu.memory_space<vmem>>, %arg9: memref<512x1024xf32, #tpu.memory_space<vmem>>, %arg10: memref<1024x1024xbf16, #tpu.memory_space<vmem>>, %arg11: memref<1024x512xbf16, #tpu.memory_space<vmem>>) attributes {dimension_semantics = [#tpu.dimension_semantics<arbitrary>], iteration_bounds = array<i64: 8>, scalar_prefetch = 0 : i64, scratch_operands = 2 : i64, tpu.core_type = #tpu.core_type<tc>, window_params = [{transform_indices = @transform_0, window_bounds = array<i64: 512, 1024>}, {pipeline_mode = #tpu.pipeline_mode<synchronous>, transform_indices = @transform_1, window_bounds = array<i64: 1024, 1024>}, {pipeline_mode = #tpu.pipeline_mode<synchronous>, transform_indices = @transform_2, window_bounds = array<i64: 1, 1024>}, {pipeline_mode = #tpu.pipeline_mode<synchronous>, transform_indices = @transform_3, window_bounds = array<i64: 1024, 512>}, {pipeline_mode = #tpu.pipeline_mode<synchronous>, transform_indices = @transform_4, window_bounds = array<i64: 1, 512>}, {transform_indices = @transform_5, window_bounds = array<i64: 512, 1024>}, {transform_indices = @transform_6, window_bounds = array<i64: 512, 1024>}, {transform_indices = @transform_7, window_bounds = array<i64: 512, 2>}, {transform_indices = @transform_8, window_bounds = array<i64: 512, 1024>}]} {
    %eq3A = arith.constant 0 : i32
    %eq3A_0 = arith.cmpi eq, %arg0, %eq3A : i32
    %convert_element_type3A = arith.extui %eq3A_0 : i1 to i32
    %cond3A = arith.constant 0 : i32
    %cond3A_1 = arith.cmpi ne, %convert_element_type3A, %cond3A : i32
    scf.if %cond3A_1 {
      %get3A_121 = arith.constant 0 : index
      %get3A_122 = arith.constant 0 : index
      %get3A_123 = vector.load %arg2[%get3A_121, %get3A_122] : memref<1024x1024xf32, #tpu.memory_space<vmem>>, vector<1024x1024xf32>
      %abs3A_124 = math.absf %get3A_123 : vector<1024x1024xf32>
      %reduce_sum3A_125 = arith.constant dense<0.000000e+00> : vector<1024xf32>
      %reduce_sum3A_126 = vector.multi_reduction <add>, %abs3A_124, %reduce_sum3A_125 [0] : vector<1024x1024xf32> to vector<1024xf32>
      %broadcast_in_dim3A_127 = vector.shape_cast %reduce_sum3A_126 : vector<1024xf32> to vector<1x1024xf32>
      %reduce_sum3A_128 = arith.constant dense<0.000000e+00> : vector<1xf32>
      %reduce_sum3A_129 = vector.multi_reduction <add>, %broadcast_in_dim3A_127, %reduce_sum3A_128 [1] : vector<1x1024xf32> to vector<1xf32>
      %broadcast_in_dim3A_130 = vector.shape_cast %reduce_sum3A_129 : vector<1xf32> to vector<1x1xf32>
      %mul3A_131 = arith.constant 9.53674316E-7 : f32
      %mul3A_132 = vector.broadcast %mul3A_131 : f32 to vector<1x1xf32>
      %mul3A_133 = arith.mulf %broadcast_in_dim3A_130, %mul3A_132 : vector<1x1xf32>
      %jit3A_134 = arith.constant 9.99999974E-6 : f32
      %max3A_135 = vector.broadcast %jit3A_134 : f32 to vector<1x1xf32>
      %max3A_136 = arith.maximumf %max3A_135, %mul3A_133 : vector<1x1xf32>
      %div3A_137 = arith.constant 1.000000e+00 : f32
      %div3A_138 = vector.broadcast %div3A_137 : f32 to vector<1x1xf32>
      %div3A_139 = arith.divf %div3A_138, %max3A_136 : vector<1x1xf32>
      %div3A_140 = arith.constant 5.000000e-01 : f32
      %div3A_141 = vector.broadcast %div3A_140 : f32 to vector<1x1xf32>
      %div3A_142 = arith.divf %div3A_141, %div3A_139 : vector<1x1xf32>
      %div3A_143 = arith.constant 1.000000e+00 : f32
      %div3A_144 = vector.broadcast %div3A_143 : f32 to vector<1x1xf32>
      %div3A_145 = arith.divf %div3A_144, %div3A_139 : vector<1x1xf32>
      %gt3A = vector.broadcast %div3A_142 : vector<1x1xf32> to vector<1024x1024xf32>
      %gt3A_146 = arith.cmpf ogt, %get3A_123, %gt3A : vector<1024x1024xf32>
      %neg3A = arith.constant 0.000000e+00 : f32
      %neg3A_147 = vector.broadcast %neg3A : f32 to vector<1x1xf32>
      %neg3A_148 = arith.subf %neg3A_147, %div3A_142 : vector<1x1xf32>
      %lt3A = vector.broadcast %neg3A_148 : vector<1x1xf32> to vector<1024x1024xf32>
      %lt3A_149 = arith.cmpf olt, %get3A_123, %lt3A : vector<1024x1024xf32>
      %neg3A_150 = arith.constant 0.000000e+00 : f32
      %neg3A_151 = vector.broadcast %neg3A_150 : f32 to vector<1x1xf32>
      %neg3A_152 = arith.subf %neg3A_151, %div3A_145 : vector<1x1xf32>
      %jit3A_153 = arith.constant 0.000000e+00 : f32
      %broadcast_in_dim3A_154 = vector.shape_cast %neg3A_152 : vector<1x1xf32> to vector<1x1xf32>
      %broadcast_in_dim3A_155 = vector.broadcast %broadcast_in_dim3A_154 : vector<1x1xf32> to vector<1024x1024xf32>
      %broadcast_in_dim3A_156 = vector.broadcast %jit3A_153 : f32 to vector<1024x1024xf32>
      %select_n3A_157 = arith.select %lt3A_149, %broadcast_in_dim3A_155, %broadcast_in_dim3A_156 : vector<1024x1024xi1>, vector<1024x1024xf32>
      %broadcast_in_dim3A_158 = vector.shape_cast %div3A_145 : vector<1x1xf32> to vector<1x1xf32>
      %broadcast_in_dim3A_159 = vector.broadcast %broadcast_in_dim3A_158 : vector<1x1xf32> to vector<1024x1024xf32>
      %select_n3A_160 = arith.select %gt3A_146, %broadcast_in_dim3A_159, %select_n3A_157 : vector<1024x1024xi1>, vector<1024x1024xf32>
      %convert_element_type3A_161 = arith.truncf %select_n3A_160 : vector<1024x1024xf32> to vector<1024x1024xbf16>
      %swap3A_162 = arith.constant 0 : index
      %swap3A_163 = arith.constant 0 : index
      %swap3A_164 = vector.load %arg10[%swap3A_162, %swap3A_163] : memref<1024x1024xbf16, #tpu.memory_space<vmem>>, vector<1024x1024xbf16>
      tpu.vector_store %arg10[%swap3A_162, %swap3A_163], %convert_element_type3A_161 {strides = array<i32>} : memref<1024x1024xbf16, #tpu.memory_space<vmem>>, vector<1024x1024xbf16>,
      %get3A_165 = arith.constant 0 : index
      %get3A_166 = arith.constant 0 : index
      %get3A_167 = vector.load %arg4[%get3A_165, %get3A_166] : memref<1024x512xf32, #tpu.memory_space<vmem>>, vector<1024x512xf32>
      %abs3A_168 = math.absf %get3A_167 : vector<1024x512xf32>
      %reduce_sum3A_169 = arith.constant dense<0.000000e+00> : vector<512xf32>
      %reduce_sum3A_170 = vector.multi_reduction <add>, %abs3A_168, %reduce_sum3A_169 [0] : vector<1024x512xf32> to vector<512xf32>
      %broadcast_in_dim3A_171 = vector.shape_cast %reduce_sum3A_170 : vector<512xf32> to vector<1x512xf32>
      %reduce_sum3A_172 = arith.constant dense<0.000000e+00> : vector<1xf32>
      %reduce_sum3A_173 = vector.multi_reduction <add>, %broadcast_in_dim3A_171, %reduce_sum3A_172 [1] : vector<1x512xf32> to vector<1xf32>
      %broadcast_in_dim3A_174 = vector.shape_cast %reduce_sum3A_173 : vector<1xf32> to vector<1x1xf32>
      %mul3A_175 = arith.constant 1.90734863E-6 : f32
      %mul3A_176 = vector.broadcast %mul3A_175 : f32 to vector<1x1xf32>
      %mul3A_177 = arith.mulf %broadcast_in_dim3A_174, %mul3A_176 : vector<1x1xf32>
      %jit3A_178 = arith.constant 9.99999974E-6 : f32
      %max3A_179 = vector.broadcast %jit3A_178 : f32 to vector<1x1xf32>
      %max3A_180 = arith.maximumf %max3A_179, %mul3A_177 : vector<1x1xf32>
      %div3A_181 = arith.constant 1.000000e+00 : f32
      %div3A_182 = vector.broadcast %div3A_181 : f32 to vector<1x1xf32>
      %div3A_183 = arith.divf %div3A_182, %max3A_180 : vector<1x1xf32>
      %div3A_184 = arith.constant 5.000000e-01 : f32
      %div3A_185 = vector.broadcast %div3A_184 : f32 to vector<1x1xf32>
      %div3A_186 = arith.divf %div3A_185, %div3A_183 : vector<1x1xf32>
      %div3A_187 = arith.constant 1.000000e+00 : f32
      %div3A_188 = vector.broadcast %div3A_187 : f32 to vector<1x1xf32>
      %div3A_189 = arith.divf %div3A_188, %div3A_183 : vector<1x1xf32>
      %gt3A_190 = vector.broadcast %div3A_186 : vector<1x1xf32> to vector<1024x512xf32>
      %gt3A_191 = arith.cmpf ogt, %get3A_167, %gt3A_190 : vector<1024x512xf32>
      %neg3A_192 = arith.constant 0.000000e+00 : f32
      %neg3A_193 = vector.broadcast %neg3A_192 : f32 to vector<1x1xf32>
      %neg3A_194 = arith.subf %neg3A_193, %div3A_186 : vector<1x1xf32>
      %lt3A_195 = vector.broadcast %neg3A_194 : vector<1x1xf32> to vector<1024x512xf32>
      %lt3A_196 = arith.cmpf olt, %get3A_167, %lt3A_195 : vector<1024x512xf32>
      %neg3A_197 = arith.constant 0.000000e+00 : f32
      %neg3A_198 = vector.broadcast %neg3A_197 : f32 to vector<1x1xf32>
      %neg3A_199 = arith.subf %neg3A_198, %div3A_189 : vector<1x1xf32>
      %jit3A_200 = arith.constant 0.000000e+00 : f32
      %broadcast_in_dim3A_201 = vector.shape_cast %neg3A_199 : vector<1x1xf32> to vector<1x1xf32>
      %broadcast_in_dim3A_202 = vector.broadcast %broadcast_in_dim3A_201 : vector<1x1xf32> to vector<1024x512xf32>
      %broadcast_in_dim3A_203 = vector.broadcast %jit3A_200 : f32 to vector<1024x512xf32>
      %select_n3A_204 = arith.select %lt3A_196, %broadcast_in_dim3A_202, %broadcast_in_dim3A_203 : vector<1024x512xi1>, vector<1024x512xf32>
      %broadcast_in_dim3A_205 = vector.shape_cast %div3A_189 : vector<1x1xf32> to vector<1x1xf32>
      %broadcast_in_dim3A_206 = vector.broadcast %broadcast_in_dim3A_205 : vector<1x1xf32> to vector<1024x512xf32>
      %select_n3A_207 = arith.select %gt3A_191, %broadcast_in_dim3A_206, %select_n3A_204 : vector<1024x512xi1>, vector<1024x512xf32>
      %convert_element_type3A_208 = arith.truncf %select_n3A_207 : vector<1024x512xf32> to vector<1024x512xbf16>
      %swap3A_209 = arith.constant 0 : index
      %swap3A_210 = arith.constant 0 : index
      %swap3A_211 = vector.load %arg11[%swap3A_209, %swap3A_210] : memref<1024x512xbf16, #tpu.memory_space<vmem>>, vector<1024x512xbf16>
      tpu.vector_store %arg11[%swap3A_209, %swap3A_210], %convert_element_type3A_208 {strides = array<i32>} : memref<1024x512xbf16, #tpu.memory_space<vmem>>, vector<1024x512xbf16>,
    } else {
    }
    %get3A = arith.constant 0 : index
    %get3A_2 = arith.constant 0 : index
    %get3A_3 = vector.load %arg1[%get3A, %get3A_2] : memref<512x1024xf32, #tpu.memory_space<vmem>>, vector<512x1024xf32>
    %get3A_4 = arith.constant 0 : index
    %get3A_5 = arith.constant 0 : index
    %get3A_6 = vector.load %arg3[%get3A_4, %get3A_5] : memref<1x1024xf32, #tpu.memory_space<vmem>>, vector<1x1024xf32>
    %get3A_7 = arith.constant 0 : index
    %get3A_8 = arith.constant 0 : index
    %get3A_9 = vector.load %arg5[%get3A_7, %get3A_8] : memref<1x512xf32, #tpu.memory_space<vmem>>, vector<1x512xf32>
    %mul3A = arith.mulf %get3A_3, %get3A_3 : vector<512x1024xf32>
    %reduce_sum3A = arith.constant dense<0.000000e+00> : vector<512xf32>
    %reduce_sum3A_10 = vector.multi_reduction <add>, %mul3A, %reduce_sum3A [1] : vector<512x1024xf32> to vector<512xf32>
    %broadcast_in_dim3A = vector.shape_cast %reduce_sum3A_10 : vector<512xf32> to vector<512x1xf32>
    %div3A = arith.constant 1.024000e+03 : f32
    %div3A_11 = vector.broadcast %div3A : f32 to vector<512x1xf32>
    %div3A_12 = arith.divf %broadcast_in_dim3A, %div3A_11 : vector<512x1xf32>
    %add3A = arith.constant 9.99999993E-9 : f32
    %add3A_13 = vector.broadcast %add3A : f32 to vector<512x1xf32>
    %add3A_14 = arith.addf %div3A_12, %add3A_13 : vector<512x1xf32>
    %rsqrt3A = math.rsqrt %add3A_14 : vector<512x1xf32>
    %mul3A_15 = vector.broadcast %rsqrt3A : vector<512x1xf32> to vector<512x1024xf32>
    %mul3A_16 = arith.mulf %get3A_3, %mul3A_15 : vector<512x1024xf32>
    %mul3A_17 = vector.broadcast %get3A_6 : vector<1x1024xf32> to vector<512x1024xf32>
    %mul3A_18 = arith.mulf %mul3A_16, %mul3A_17 : vector<512x1024xf32>
    %abs3A = math.absf %mul3A_18 : vector<512x1024xf32>
    %reduce_max3A = arith.constant dense<0xFF800000> : vector<512xf32>
    %reduce_max3A_19 = vector.multi_reduction <maximumf>, %abs3A, %reduce_max3A [1] : vector<512x1024xf32> to vector<512xf32>
    %broadcast_in_dim3A_20 = vector.shape_cast %reduce_max3A_19 : vector<512xf32> to vector<512x1xf32>
    %jit3A = arith.constant 9.99999974E-6 : f32
    %max3A = vector.broadcast %jit3A : f32 to vector<512x1xf32>
    %max3A_21 = arith.maximumf %max3A, %broadcast_in_dim3A_20 : vector<512x1xf32>
    %div3A_22 = arith.constant 1.270000e+02 : f32
    %div3A_23 = vector.broadcast %div3A_22 : f32 to vector<512x1xf32>
    %div3A_24 = arith.divf %div3A_23, %max3A_21 : vector<512x1xf32>
    %mul3A_25 = vector.broadcast %div3A_24 : vector<512x1xf32> to vector<512x1024xf32>
    %mul3A_26 = arith.mulf %mul3A_18, %mul3A_25 : vector<512x1024xf32>
    %round3A = math.roundeven %mul3A_26 : vector<512x1024xf32>
    %jit3A_27 = arith.constant -1.280000e+02 : f32
    %jit3A_28 = arith.constant 1.270000e+02 : f32
    %max3A_29 = vector.broadcast %jit3A_27 : f32 to vector<512x1024xf32>
    %max3A_30 = arith.maximumf %max3A_29, %round3A : vector<512x1024xf32>
    %min3A = vector.broadcast %jit3A_28 : f32 to vector<512x1024xf32>
    %min3A_31 = arith.minimumf %min3A, %max3A_30 : vector<512x1024xf32>
    %div3A_32 = vector.broadcast %div3A_24 : vector<512x1xf32> to vector<512x1024xf32>
    %div3A_33 = arith.divf %min3A_31, %div3A_32 : vector<512x1024xf32>
    %convert_element_type3A_34 = arith.truncf %div3A_33 : vector<512x1024xf32> to vector<512x1024xbf16>
    %get3A_35 = arith.constant 0 : index
    %get3A_36 = arith.constant 0 : index
    %get3A_37 = vector.load %arg10[%get3A_35, %get3A_36] : memref<1024x1024xbf16, #tpu.memory_space<vmem>>, vector<1024x1024xbf16>
    %dot_general3A = arith.constant dense<0.000000e+00> : vector<512x1024xf32>
    %dot_general3A_38 = tpu.matmul %convert_element_type3A_34, %get3A_37, %dot_general3A {dimension_numbers = #tpu.dot_dimension_numbers<[1], [1], [0], [0], [0, 0, 1, 0], [], []>, transpose_lhs_hint = false} : vector<512x1024xbf16>, vector<1024x1024xbf16>, vector<512x1024xf32> -> vector<512x1024xf32>
    %slice3A = vector.extract_strided_slice %dot_general3A_38 {offsets = [0, 0], sizes = [512, 512], strides = [1, 1]} : vector<512x1024xf32> to vector<512x512xf32>
    %slice3A_39 = vector.extract_strided_slice %dot_general3A_38 {offsets = [0, 512], sizes = [512, 512], strides = [1, 1]} : vector<512x1024xf32> to vector<512x512xf32>
    %logistic3A = arith.negf %slice3A : vector<512x512xf32>
    %logistic3A_40 = math.exp %logistic3A : vector<512x512xf32>
    %logistic3A_41 = arith.constant 1.000000e+00 : f32
    %logistic3A_42 = vector.broadcast %logistic3A_41 : f32 to vector<512x512xf32>
    %logistic3A_43 = arith.addf %logistic3A_42, %logistic3A_40 : vector<512x512xf32>
    %logistic3A_44 = arith.divf %logistic3A_42, %logistic3A_43 : vector<512x512xf32>
    %mul3A_45 = arith.mulf %slice3A, %logistic3A_44 : vector<512x512xf32>
    %mul3A_46 = arith.mulf %mul3A_45, %slice3A_39 : vector<512x512xf32>
    %mul3A_47 = arith.mulf %mul3A_46, %mul3A_46 : vector<512x512xf32>
    %reduce_sum3A_48 = arith.constant dense<0.000000e+00> : vector<512xf32>
    %reduce_sum3A_49 = vector.multi_reduction <add>, %mul3A_47, %reduce_sum3A_48 [1] : vector<512x512xf32> to vector<512xf32>
    %broadcast_in_dim3A_50 = vector.shape_cast %reduce_sum3A_49 : vector<512xf32> to vector<512x1xf32>
    %div3A_51 = arith.constant 5.120000e+02 : f32
    %div3A_52 = vector.broadcast %div3A_51 : f32 to vector<512x1xf32>
    %div3A_53 = arith.divf %broadcast_in_dim3A_50, %div3A_52 : vector<512x1xf32>
    %add3A_54 = arith.constant 9.99999993E-9 : f32
    %add3A_55 = vector.broadcast %add3A_54 : f32 to vector<512x1xf32>
    %add3A_56 = arith.addf %div3A_53, %add3A_55 : vector<512x1xf32>
    %rsqrt3A_57 = math.rsqrt %add3A_56 : vector<512x1xf32>
    %mul3A_58 = vector.broadcast %rsqrt3A_57 : vector<512x1xf32> to vector<512x512xf32>
    %mul3A_59 = arith.mulf %mul3A_46, %mul3A_58 : vector<512x512xf32>
    %mul3A_60 = vector.broadcast %get3A_9 : vector<1x512xf32> to vector<512x512xf32>
    %mul3A_61 = arith.mulf %mul3A_59, %mul3A_60 : vector<512x512xf32>
    %abs3A_62 = math.absf %mul3A_61 : vector<512x512xf32>
    %reduce_max3A_63 = arith.constant dense<0xFF800000> : vector<512xf32>
    %reduce_max3A_64 = vector.multi_reduction <maximumf>, %abs3A_62, %reduce_max3A_63 [1] : vector<512x512xf32> to vector<512xf32>
    %broadcast_in_dim3A_65 = vector.shape_cast %reduce_max3A_64 : vector<512xf32> to vector<512x1xf32>
    %jit3A_66 = arith.constant 9.99999974E-6 : f32
    %max3A_67 = vector.broadcast %jit3A_66 : f32 to vector<512x1xf32>
    %max3A_68 = arith.maximumf %max3A_67, %broadcast_in_dim3A_65 : vector<512x1xf32>
    %div3A_69 = arith.constant 1.270000e+02 : f32
    %div3A_70 = vector.broadcast %div3A_69 : f32 to vector<512x1xf32>
    %div3A_71 = arith.divf %div3A_70, %max3A_68 : vector<512x1xf32>
    %mul3A_72 = vector.broadcast %div3A_71 : vector<512x1xf32> to vector<512x512xf32>
    %mul3A_73 = arith.mulf %mul3A_61, %mul3A_72 : vector<512x512xf32>
    %round3A_74 = math.roundeven %mul3A_73 : vector<512x512xf32>
    %jit3A_75 = arith.constant -1.280000e+02 : f32
    %jit3A_76 = arith.constant 1.270000e+02 : f32
    %max3A_77 = vector.broadcast %jit3A_75 : f32 to vector<512x512xf32>
    %max3A_78 = arith.maximumf %max3A_77, %round3A_74 : vector<512x512xf32>
    %min3A_79 = vector.broadcast %jit3A_76 : f32 to vector<512x512xf32>
    %min3A_80 = arith.minimumf %min3A_79, %max3A_78 : vector<512x512xf32>
    %div3A_81 = vector.broadcast %div3A_71 : vector<512x1xf32> to vector<512x512xf32>
    %div3A_82 = arith.divf %min3A_80, %div3A_81 : vector<512x512xf32>
    %convert_element_type3A_83 = arith.truncf %div3A_82 : vector<512x512xf32> to vector<512x512xbf16>
    %get3A_84 = arith.constant 0 : index
    %get3A_85 = arith.constant 0 : index
    %get3A_86 = vector.load %arg11[%get3A_84, %get3A_85] : memref<1024x512xbf16, #tpu.memory_space<vmem>>, vector<1024x512xbf16>
    %dot_general3A_87 = arith.constant dense<0.000000e+00> : vector<512x1024xf32>
    %dot_general3A_88 = tpu.matmul %convert_element_type3A_83, %get3A_86, %dot_general3A_87 {dimension_numbers = #tpu.dot_dimension_numbers<[1], [1], [0], [0], [0, 0, 1, 0], [], []>, transpose_lhs_hint = false} : vector<512x512xbf16>, vector<1024x512xbf16>, vector<512x1024xf32> -> vector<512x1024xf32>
    %get3A_89 = arith.constant 0 : index
    %get3A_90 = arith.constant 0 : index
    %get3A_91 = vector.load %arg8[%get3A_89, %get3A_90] : memref<512x2xf32, #tpu.memory_space<vmem>>, vector<512x1xf32>
    %get3A_92 = arith.constant 0 : index
    %get3A_93 = arith.constant 1 : index
    %get3A_94 = vector.load %arg8[%get3A_92, %get3A_93] : memref<512x2xf32, #tpu.memory_space<vmem>>, vector<512x1xf32>
    %broadcast_in_dim3A_95 = arith.constant 0.000000e+00 : f32
    %broadcast_in_dim3A_96 = vector.broadcast %broadcast_in_dim3A_95 : f32 to vector<512x1024xf32>
    %ne3A = arith.constant 0.000000e+00 : f32
    %ne3A_97 = vector.broadcast %ne3A : f32 to vector<512x1xf32>
    %ne3A_98 = arith.cmpf one, %get3A_91, %ne3A_97 : vector<512x1xf32>
    %get3A_99 = arith.constant 0 : index
    %get3A_100 = arith.constant 0 : index
    %get3A_101 = vector.load %arg6[%get3A_99, %get3A_100] : memref<512x1024xf32, #tpu.memory_space<vmem>>, vector<512x1024xf32>
    %mul3A_102 = vector.broadcast %get3A_91 : vector<512x1xf32> to vector<512x1024xf32>
    %mul3A_103 = arith.mulf %mul3A_102, %get3A_101 : vector<512x1024xf32>
    %broadcast_in_dim3A_104 = vector.shape_cast %ne3A_98 : vector<512x1xi1> to vector<512x1xi1>
    %broadcast_in_dim3A_105 = vector.broadcast %broadcast_in_dim3A_104 : vector<512x1xi1> to vector<512x1024xi1>
    %select_n3A = arith.select %broadcast_in_dim3A_105, %mul3A_103, %broadcast_in_dim3A_96 : vector<512x1024xi1>, vector<512x1024xf32>
    %add3A_106 = arith.addf %dot_general3A_88, %select_n3A : vector<512x1024xf32>
    %ne3A_107 = arith.constant 0.000000e+00 : f32
    %ne3A_108 = vector.broadcast %ne3A_107 : f32 to vector<512x1xf32>
    %ne3A_109 = arith.cmpf one, %get3A_94, %ne3A_108 : vector<512x1xf32>
    %get3A_110 = arith.constant 0 : index
    %get3A_111 = arith.constant 0 : index
    %get3A_112 = vector.load %arg7[%get3A_110, %get3A_111] : memref<512x1024xf32, #tpu.memory_space<vmem>>, vector<512x1024xf32>
    %mul3A_113 = vector.broadcast %get3A_94 : vector<512x1xf32> to vector<512x1024xf32>
    %mul3A_114 = arith.mulf %mul3A_113, %get3A_112 : vector<512x1024xf32>
    %broadcast_in_dim3A_115 = vector.shape_cast %ne3A_109 : vector<512x1xi1> to vector<512x1xi1>
    %broadcast_in_dim3A_116 = vector.broadcast %broadcast_in_dim3A_115 : vector<512x1xi1> to vector<512x1024xi1>
    %select_n3A_117 = arith.select %broadcast_in_dim3A_116, %mul3A_114, %broadcast_in_dim3A_96 : vector<512x1024xi1>, vector<512x1024xf32>
    %add3A_118 = arith.addf %add3A_106, %select_n3A_117 : vector<512x1024xf32>
    %swap3A = arith.constant 0 : index
    %swap3A_119 = arith.constant 0 : index
    %swap3A_120 = vector.load %arg9[%swap3A, %swap3A_119] : memref<512x1024xf32, #tpu.memory_space<vmem>>, vector<512x1024xf32>
    tpu.vector_store %arg9[%swap3A, %swap3A_119], %add3A_118 {strides = array<i32>} : memref<512x1024xf32, #tpu.memory_space<vmem>>, vector<512x1024xf32>,
    return
  }
  func.func @transform_0(%arg0: i32) -> (i32, i32) {
    %c0_i32 = arith.constant 0 : i32
    %c0_i32_0 = arith.constant 0 : i32
    return %arg0, %c0_i32 : i32, i32
  }
  func.func @transform_1(%arg0: i32) -> (i32, i32) {
    %c0_i32 = arith.constant 0 : i32
    %c0_i32_0 = arith.constant 0 : i32
    %c0_i32_1 = arith.constant 0 : i32
    return %c0_i32, %c0_i32_0 : i32, i32
  }
  func.func @transform_2(%arg0: i32) -> (i32, i32) {
    %c0_i32 = arith.constant 0 : i32
    %c0_i32_0 = arith.constant 0 : i32
    %c0_i32_1 = arith.constant 0 : i32
    return %c0_i32, %c0_i32_0 : i32, i32
  }
  func.func @transform_3(%arg0: i32) -> (i32, i32) {
    %c0_i32 = arith.constant 0 : i32
    %c0_i32_0 = arith.constant 0 : i32
    %c0_i32_1 = arith.constant 0 : i32
    return %c0_i32, %c0_i32_0 : i32, i32
  }
  func.func @transform_4(%arg0: i32) -> (i32, i32) {
    %c0_i32 = arith.constant 0 : i32
    %c0_i32_0 = arith.constant 0 : i32
    %c0_i32_1 = arith.constant 0 : i32
    return %c0_i32, %c0_i32_0 : i32, i32
  }
  func.func @transform_5(%arg0: i32) -> (i32, i32) {
    %c0_i32 = arith.constant 0 : i32
    %c0_i32_0 = arith.constant 0 : i32
    return %arg0, %c0_i32 : i32, i32
  }
  func.func @transform_6(%arg0: i32) -> (i32, i32) {
    %c0_i32 = arith.constant 0 : i32
    %c0_i32_0 = arith.constant 0 : i32
    return %arg0, %c0_i32 : i32, i32
  }
  func.func @transform_7(%arg0: i32) -> (i32, i32) {
    %c0_i32 = arith.constant 0 : i32
    %c0_i32_0 = arith.constant 0 : i32
    return %arg0, %c0_i32 : i32, i32
  }
  func.func @transform_8(%arg0: i32) -> (i32, i32) {
    %c0_i32 = arith.constant 0 : i32
    %c0_i32_0 = arith.constant 0 : i32
    return %arg0, %c0_i32 : i32, i32
  }
}

</mosaic_0001>

<sc_bundles>
// kernel: kernel.10.cloned.1.call-start
scs
__scs_entry_jumppad:
0x0: {  	(pc) =	sbr.rel $0x88, $3  }
0x1: {  	(tag) =	ssettag $0x0;
	lr =	simm.s32 $0x1  }
0x2: {  	[smem:$0x3F96] =	sst lr;
	_ =	strace $0xD0000000  }
0x3: {  	_ = 	snop  }
0x4: {  	_ = 	snop  }
0x5: {  	_ = 	snop  }
0x6: {  	_ = 	snop  }
0x7: {  	_ = 	snop  }
__scs_overlays_trampoline_lowered:
0x8: {  	[smem:$0x3FA5] =	sst s0  }
0x9: {  	[smem:$0x3FA6] =	sst s1  }
0xa: {  	[smem:$0x3FA7] =	sst s2  }
0xb: {  	[smem:$0x3FA8] =	sst s3  }
0xc: {  	[smem:$0x3FA9] =	sst s4  }
0xd: {  	[smem:$0x3FAA] =	sst s5  }
0xe: {  	[smem:$0x3FAB] =	sst s6  }
0xf: {  	[smem:$0x3FAC] =	sst s7  }
0x10: {  	[smem:$0x3FAD] =	sst s8  }
0x11: {  	[smem:$0x3FAE] =	sst s9;
	s0 =	simm.s32 @!p0 $0x0  }
0x12: {  	s1 =	sld [smem:$0x3F94];
	s0 =	simm.s32 @p0 $0x1  }
0x13: {  	[smem:$0x3FAF] =	sst s0;
	s0 =	simm.s32 @!p1 $0x0  }
0x14: {  	s2 =	sld [smem:$0x3F93];
	s0 =	simm.s32 @p1 $0x1  }
0x15: {  	[smem:$0x3FB0] =	sst s0;
	s0 =	simm.s32 @!p2 $0x0  }
0x16: {  	s3 =	sld [smem:$0x3FDB];
	s0 =	simm.s32 @p2 $0x1  }
0x17: {  	s4 =	simm.s32 $0x1BF5;
	[smem:$0x3FB2] =	sst s0  }
0x18: {  	s0 =	sld [smem:$0x3F95];
	_ =	swait.ge [sflag:s4], $0x0  }
0x19: {  	s7 =	sld [smem:$0x3F96]  }
0x1a: {  	s8 =	sadd.s32 $0xFFFFE003, lr  }
0x1b: {  	s9 =	sadd.s32 $0xFFFFFEF7, lr;
	s5 =	simm.s32 $0xFFFFFFFF;
	p2 =	slt.u32 s8, $0xFFFFF086  }
0x1c: {  	p1 =	slt.u32 s9, $0xF7A;
	s5 =	simm.s32 @!p2 $0x0  }
0x1d: {  	s5 =	simm.s32 @p1 $0x1;
	p0 =	seq.s32 s7, s2  }
0x1e: {  	s7 =	smul.u32 @!p0 $0xF7A, s2;
	p2 =	seq.s32 @!p0 s5, $0x0  }
0x1f: {  	s9 =	smul.u32 $0xF7A, s1;
	s8 =	simm.s32 @!p0 $0x1BF5;
	p2 =	por !p2, p0  }
0x20: {  	[sflag:s8] =	ssyncset.s32 @!p0 $0xFFFFF086;
	s6 =	sadd.s32 @!p0 s3, s7;
	s7 =	simm.s32 @!p0 $0x108  }
0x21: {  	s3 =	sadd.s32 s3, s9;
	s6 =	sadd.s32 @!p0 $0x88, s6;
	s7 =	simm.s32 @p2 $0x1082  }
0x22: {  	[simem:s7], [sflag:s8] =	dma.local @!p0 [hbm:s6], $0xF7A  }
0x23: {  	s9 =	sor.u32 $0xD0000000, s2;
	s6 =	simm.s32 $0x108;
	_ =	swait.ge @!p0 [sflag:s8], $0x0  }
0x24: {  	s3 =	sadd.s32 $0x88, s3;
	s6 =	simm.s32 @!p1 $0x1082;
	[sflag:s4] =	ssyncset.s32 $0xFFFFF086  }
0x25: {  	[simem:s6], [sflag:s4] =	dma.local [hbm:s3], $0xF7A  }
0x26: {  	[smem:$0x3F96] =	sst s1;
	(tag) =	ssettag s2;
	_ =	strace s9  }
0x27: {  	s1 =	sld [smem:$0x3FA6]  }
0x28: {  	s2 =	sld [smem:$0x3FA7]  }
0x29: {  	s4 =	sld [smem:$0x3FA9]  }
0x2a: {  	p0 =	seq.s32 s5, $0x0;
	s5 =	sld [smem:$0x3FAA]  }
0x2b: {  	s6 =	sld [smem:$0x3FAB]  }
0x2c: {  	s7 =	sld [smem:$0x3FAC]  }
0x2d: {  	s3 =	simm.s32 $0x108;
	s8 =	sld [smem:$0x3FAD]  }
0x2e: {  	s3 =	simm.s32 @!p0 $0x1082;
	s9 =	sld [smem:$0x3FAE]  }
0x2f: {  	lr =	sadd.s32 s0, s3;
	s0 =	sld [smem:$0x3FA5]  }
0x30: {  	s3 =	sld [smem:$0x3FA8]  }
0x31: {  	[smem:$0x3FB1] =	sst s10  }
0x32: {  	s10 =	sld [smem:$0x3FAF];
	_ =	sdelay $0x3  }
0x33: {  	p0 =	seq.s32 s10, $0x1;
	s10 =	sld [smem:$0x3FB1];
	_ =	sdelay $0x3  }
0x34: {  	[smem:$0x3FB1] =	sst s10  }
0x35: {  	s10 =	sld [smem:$0x3FB0];
	_ =	sdelay $0x3  }
0x36: {  	p1 =	seq.s32 s10, $0x1;
	s10 =	sld [smem:$0x3FB1];
	_ =	sdelay $0x3  }
0x37: {  	[smem:$0x3FB1] =	sst s10  }
0x38: {  	s10 =	sld [smem:$0x3FB2]  }
0x39: {  	_ = 	snop;
	(pc) =	sbr.ind lr, $3  }
0x3a: {  	_ = 	snop  }
0x3b: {  	_ = 	snop  }
0x3c: {  	p2 =	seq.s32 s10, $0x1;
	s10 =	sld [smem:$0x3FB1]  }
0x3d: {  	_ =	shalt  }
0x3e: {  	_ =	shalt  }
0x3f: {  	_ =	shalt  }
0x40: {  	_ =	shalt  }
0x41: {  	_ =	shalt  }
0x42: {  	_ =	shalt  }
0x43: {  	_ =	shalt  }
0x44: {  	_ =	shalt  }
0x45: {  	_ =	shalt  }
0x46: {  	_ =	shalt  }
0x47: {  	_ =	shalt  }
0x48: {  	_ =	shalt  }
0x49: {  	_ =	shalt  }
0x4a: {  	_ =	shalt  }
0x4b: {  	_ =	shalt  }
0x4c: {  	_ =	shalt  }
0x4d: {  	_ =	shalt  }
0x4e: {  	_ =	shalt  }
0x4f: {  	_ =	shalt  }
0x50: {  	_ =	shalt  }
0x51: {  	_ =	shalt  }
0x52: {  	_ =	shalt  }
0x53: {  	_ =	shalt  }
0x54: {  	_ =	shalt  }
0x55: {  	_ =	shalt  }
0x56: {  	_ =	shalt  }
0x57: {  	_ =	shalt  }
0x58: {  	_ =	shalt  }
0x59: {  	_ =	shalt  }
0x5a: {  	_ =	shalt  }
0x5b: {  	_ =	shalt  }
0x5c: {  	_ =	shalt  }
0x5d: {  	_ =	shalt  }
0x5e: {  	_ =	shalt  }
0x5f: {  	_ =	shalt  }
0x60: {  	_ =	shalt  }
0x61: {  	_ =	shalt  }
0x62: {  	_ =	shalt  }
0x63: {  	_ =	shalt  }
0x64: {  	_ =	shalt  }
0x65: {  	_ =	shalt  }
0x66: {  	_ =	shalt  }
0x67: {  	_ =	shalt  }
0x68: {  	_ =	shalt  }
0x69: {  	_ =	shalt  }
0x6a: {  	_ =	shalt  }
0x6b: {  	_ =	shalt  }
0x6c: {  	_ =	shalt  }
0x6d: {  	_ =	shalt  }
0x6e: {  	_ =	shalt  }
0x6f: {  	_ =	shalt  }
0x70: {  	_ =	shalt  }
0x71: {  	_ =	shalt  }
0x72: {  	_ =	shalt  }
0x73: {  	_ =	shalt  }
0x74: {  	_ =	shalt  }
0x75: {  	_ =	shalt  }
0x76: {  	_ =	shalt  }
0x77: {  	_ =	shalt  }
0x78: {  	_ =	shalt  }
0x79: {  	_ =	shalt  }
0x7a: {  	_ =	shalt  }
0x7b: {  	_ =	shalt  }
0x7c: {  	_ =	shalt  }
0x7d: {  	_ =	shalt  }
0x7e: {  	_ =	shalt  }
0x7f: {  	_ =	shalt  }
0x80: {  	_ =	shalt  }
0x81: {  	_ =	shalt  }
0x82: {  	_ =	shalt  }
0x83: {  	_ =	shalt  }
0x84: {  	_ =	shalt  }
0x85: {  	_ =	shalt  }
0x86: {  	_ =	shalt  }
0x87: {  	_ =	shalt  }
.Lfunc_end0:
.L_simem_size_0:
called_computation.1_lowered:
.L_overlay_start_0:
0x88: {  	s2 =	sld [smem:$0x3FD9]  }
0x89: {  	s3 =	sld [smem:$0x3FFE];
	_ =	sdelay $0x1  }
0x8a: {  	s1 =	srdreg.scid  }
0x8b: {  	s0 =	sand.u32 $0x1, s1  }
0x8c: {  	s16 =	sshll.u32 s0, $0xA;
	s2 =	sadd.s32 s3, s2  }
0x8d: {  	s2 =	sadd.s32 s2, s16  }
0x8e: {  	[smem:$0x3FBD] =	sst s2  }
0x8f: {  	_ = 	snop  }
0x90: {  	(tm) =	ssettm $0x1  }
0x91: {  	s17 =	sld [smem:$0x3FFB];
	_ =	sdelay $0x3  }
0x92: {  	_ =	strace s17  }
0x93: {  	s2 =	sld [smem:$0x3FFC];
	_ =	sdelay $0x3  }
0x94: {  	_ =	strace s2  }
0x95: {  	s2 =	sld [smem:$0x3FFD];
	_ =	sdelay $0x3  }
0x96: {  	_ =	strace s2  }
0x97: {  	_ =	strace $0x8FFFFFFF  }
0x98: {  	s18 =	sld [smem:$0x3FDB];
	_ =	sdelay $0x1  }
0x99: {  	s19 =	simm.s32 $_scs_section_size  }
0x9a: {  	s4 =	simm.s32 $_size__tile_overlayer_lowered;
	s5 =	simm.s32 $_tile_overlayer_lowered  }
0x9b: {  	s22 =	simm.s32 $0x1BFF;
	s21 =	sshll.u32 s5, $0x1;
	s2 =	sadd.s32 s19, s18  }
0x9c: {  	s6 =	simm.s32 $0x0;
	s20 =	sshll.u32 s4, $0x1;
	s4 =	sadd.s32 s21, s2  }
0x9d: {  	[timem:s6], [sflag:s22] =	dma.local [hbm:s4], s20  }
0x9e: {  	_ =	swait.ge [sflag:s22], s20  }
0x9f: {  	s3 =	ssub.s32 $0x0, s20;
	[sflag:s22] =	ssyncset.done $0x0  }
0xa0: {  	[sflag:s22] =	ssyncadd.s32 s3;
	_ =	sdelay $0x1  }
0xa1: {  	s23 =	simm.s32 $0x1B8B  }
0xa2: {  	_ =	swait.ge [sflag:s23], $0x1  }
0xa3: {  	[sflag:s23] =	ssyncset.done $0x0  }
0xa4: {  	s25 =	simm.s32 $0x1B8E;
	s24 =	sld [smem:$0x3FFE];
	[sflag:s23] =	ssyncadd.s32 $0xFFFFFFFF  }
0xa5: {  	s26 =	simm.s32 $execute0_lowered;
	[smem:$0x3FD2] =	sst s25  }
0xa6: {  	s4 =	sshll.u32 s26, $0x1;
	_ =	strace $0x80000049;
	[dreg:$0x1] =	wrdreg $0xFFFFFFFF  }
0xa7: {  	s28 =	simm.s32 $_size_execute0_lowered;
	s2 =	sadd.s32 s2, s4;
	[dreg:$0x0] =	wrdreg $0x0  }
0xa8: {  	s4 =	sshll.u32 s28, $0x1;
	[dreg:$0x2] =	wrdreg s2  }
0xa9: {  	[dreg:$0x3] =	wrdreg s4  }
0xaa: {  	[dreg:$0x4] =	wrdreg $0xC0  }
0xab: {  	_ =	task [dreg:s6], $0x5FFFF  }
0xac: {  	[dreg:$0x1] =	wrdreg $0xFFFFFFFF  }
0xad: {  	[dreg:$0x0] =	wrdreg $0x60  }
0xae: {  	[dreg:$0x2] =	wrdreg s24  }
0xaf: {  	[dreg:$0x3] =	wrdreg $0x9  }
0xb0: {  	_ =	task.clear_ibuf [dreg:s6], $0x4FFFF;
	_ =	strace $0x90000049  }
0xb1: {  	s29 =	simm.s32 $0x9;
	_ =	strace $0x8000004B  }
0xb2: {  	_ =	swait.ge [sflag:s29], $0x1  }
0xb3: {  	[sflag:s29] =	ssyncadd.s32 $0xFFFFFFFF  }
0xb4: {  	_ =	strace $0x9000004B  }
0xb5: {  	_ =	sfence  }
0xb6: {  	s30 =	sld [smem:$0x0];
	_ =	sdelay $0x2  }
0xb7: {  	s31 =	sshll.u32 s1, $0xD;
	s1 =	sshrl.u32 s1, $0x2  }
0xb8: {  	s3 =	sand.u32 $0x4000, s31;
	s1 =	sadd.s32 s1, s30  }
0xb9: {  	s0 =	sor.u32 s3, s0;
	s1 =	sshll.u32 s1, $0x11  }
0xba: {  	s0 =	sor.u32 s1, s0  }
0xbb: {  	s0 =	sadd.s32 $0x8F2B, s0  }
0xbc: {  	[sflag:s0] =	ssyncadd.remote.s32 $0x1  }
0xbd: {  	_ =	sfence.sel $0xFFFF  }
0xbe: {  	[dreg:$0x0] =	wrdreg $0xFFFFFFFF;
	(pc) =	sbr.abs _section_cstart, $3  }
0xbf: {  	[dreg:$0x1] =	wrdreg $0xFFFFFFFF  }
0xc0: {  	_ =	task.clear_ibuf [dreg:s6], $0x2FFFF;
	_ =	strace $0x9FFFFFFF  }
0xc1: {  	(tm) =	ssettm $0x7FFFFFFF  }
tec
execute0_lowered:
.L_overlay_start_1:
0x0: {  	(tag) =	ssettag $0x1  }
0x1: {  	s1 =	srdreg.scid  }
0x2: {  	s0 =	stileid.u32;
	s1 =	sand.u32 $0x1, s1  }
0x3: {  	s6 =	rddreg [dreg:$0x0];
	s2 =	sshll.u32 s0, $0x8;
	s3 =	sshll.u32 s1, $0x7  }
0x4: {  	s12 =	simm.s32 $0x10000;
	s3 =	sor.u32 s3, s2;
	s2 =	simm.s32 $0x0  }
0x5: {  	s13 =	simm.s32 $0x10080;
	s14 =	simm.s32 $0x800;
	[smem:$0x7FF] =	sst s2  }
0x6: {  	s15 =	simm.s32 $0x1000;
	_ =	strace $0x8000004A;
	[dreg:$0x4] =	wrdreg s12  }
0x7: {  	s16 =	simm.s32 $0x1800;
	s17 =	simm.s32 $0x2000;
	[dreg:$0x5] =	wrdreg s13  }
0x8: {  	s18 =	simm.s32 $0x2800;
	s20 =	simm.s32 $0x3000;
	[dreg:$0x6] =	wrdreg s14  }
0x9: {  	s21 =	simm.s32 $0x3800;
	s22 =	simm.s32 $0x4000;
	[dreg:$0x7] =	wrdreg s15  }
0xa: {  	s9 =	simm.s32 $0x4800;
	s23 =	simm.s32 $0x5000;
	[dreg:$0x8] =	wrdreg s16  }
0xb: {  	s24 =	simm.s32 $0x5800;
	s26 =	simm.s32 $0x6000;
	[dreg:$0x9] =	wrdreg s17  }
0xc: {  	s30 =	simm.s32 $0x6800;
	s31 =	simm.s32 $0x7000;
	[dreg:$0xa] =	wrdreg s18  }
0xd: {  	s11 =	simm.s32 $0x7800;
	s10 =	simm.s32 $0x2;
	[dreg:$0xb] =	wrdreg s20  }
0xe: {  	s28 =	simm.s32 $0x1;
	s5 =	sshll.u32 s0, $0xF;
	[dreg:$0xc] =	wrdreg s21  }
0xf: {  	s29 =	simm.s32 $0x0;
	s8 =	sadd.s32 s5, s6;
	[dreg:$0xd] =	wrdreg s22  }
0x10: {  	s19 =	ssub.s32 $0x2, s1;
	s5 =	sadd.s32 $0x3800, s6;
	[dreg:$0xe] =	wrdreg s9  }
0x11: {  	s1 =	sshll.u32 s1, $0xE;
	s7 =	sshrl.u32 s19, $0x1;
	[dreg:$0xf] =	wrdreg s23  }
0x12: {  	s1 =	sadd.s32 s1, s8;
	s3 =	sshrl.u32 s3, $0x3;
	[dreg:$0x10] =	wrdreg s24  }
0x13: {  	s7 =	ssub.s32 s19, s7;
	s8 =	sadd.s32 $0xA3600, s1;
	[dreg:$0x11] =	wrdreg s26  }
0x14: {  	s19 =	simm.s32 $0xC000;
	s3 =	sadd.s32 s3, s6;
	[dreg:$0x12] =	wrdreg s30  }
0x15: {  	s25 =	smax.u32 s7, $0x1;
	[dreg:$0x13] =	wrdreg s31;
	s9 =	sadd.s32 $0x123600, s1  }
0x16: {  	[dreg:$0x14] =	wrdreg s11;
	s11 =	simm.s32 $0x8000;
	s12 =	simm.s32 $0x8800  }
0x17: {  	s13 =	simm.s32 $0x9000;
	s14 =	simm.s32 $0x9800;
	s15 =	simm.s32 $0xA000  }
0x18: {  	s16 =	simm.s32 $0xA800;
	s17 =	simm.s32 $0xB000;
	s18 =	simm.s32 $0xB800  }
0x19: {  	s20 =	simm.s32 $0xC800;
	s21 =	simm.s32 $0xD000;
	s22 =	simm.s32 $0xD800  }
0x1a: {  	s23 =	simm.s32 $0xE000;
	s4 =	sadd.s32 $0x3400, s3;
	[dreg:$0x15] =	wrdreg s25  }
0x1b: {  	v2 =	vlaneseq.u32;
	s24 =	simm.s32 $0xE800;
	s3 =	sadd.s32 $0x3200, s3;
	[dreg:$0x2] =	wrdreg s4  }
0x1c: {  	vm0 =	vmmov $0xffff;
	v1 =	vshrl.u32 v2, $0x3;
	s26 =	simm.s32 $0xF800;
	s25 =	simm.s32 $0xF000;
	[dreg:$0x3] =	wrdreg s3  }
0x1d: {  	v0 =	vand.u32 $0x7, v2;
	v2 =	vor.u32 $0x8, v2;
	v1 =	vmul.u32 $0x8, v1;
	s3 =	sadd.s32 $0x3600, s6;
	s4 =	sadd.s32 $0x3700, s6;
	s6 =	sadd.s32 $0x3900, s6  }
.LBB2_1:
0x1e: {  	s30 =	smov.u32 s9;
	s31 =	smov.u32 s8;
	s1 =	simm.s32 $0x0  }
.LBB2_2:
0x1f: {  	s0 =	rddreg [dreg:$0x3]  }
0x20: {  	s7 =	rddreg [dreg:$0x4];
	s0 =	sadd.s32 s1, s0  }
0x21: {  	[tilespmem:s7], [sflag:$0x2] =	stream.linear.gather [hbm4b:s0+s2], $0x20, $0x38;
	[tilespmem:$0x10100] =	vst v63  }
0x22: {  	_ =	swait.ge [sflag:s10], $0x20  }
0x23: {  	s0 =	rddreg [dreg:$0x2];
	[sflag:s10] =	ssyncset.done $0x0  }
0x24: {  	s7 =	rddreg [dreg:$0x5];
	[sflag:s10] =	ssyncadd.s32 $0xFFFFFFE0;
	s0 =	sadd.s32 s1, s0  }
0x25: {  	[tilespmem:s7], [sflag:$0x2] =	stream.linear.gather [hbm4b:s0+s2], $0x20, $0x38;
	[tilespmem:$0x10100] =	vst v63  }
0x26: {  	_ =	swait.ge [sflag:s10], $0x20  }
0x27: {  	[sflag:s10] =	ssyncset.done $0x0  }
0x28: {  	[sflag:s10] =	ssyncadd.s32 $0xFFFFFFE0  }
0x29: {  	v3 =	vld [tilespmem:$0x10000];
	_ =	sdelay $0x4  }
0x2a: {  	v4 =	vshll.u32 v3, $0x3  }
0x2b: {  	v3 =	vand.u32 $0x7, v3;
	v4 =	vand.u32 $0xFFFFFFC0, v4  }
0x2c: {  	v3 =	vor.u32 v3, v4  }
0x2d: {  	v4 =	vperm.xlane v3, v0;
	_ =	sdelay $0x1  }
0x2e: {  	v4 =	vadd.s32 v1, v4;
	_ =	sdelay $0x4  }
0x2f: {  	[tilespmem:s2], [sflag:$0x1] =	stream.indirect_vreg.gather [hbm4b:s3+s2], $0x80, v4, vm0, $0xb8;
	[tilespmem:$0x10100] =	vst v63  }
0x30: {  	s0 =	rddreg [dreg:$0x6];
	v3 =	vperm.xlane v3, v2  }
0x31: {  	[tilespmem:s0], [sflag:$0x1] =	stream.indirect_vreg.gather [hbm4b:s4+s2], $0x80, v4, vm0, $0xb8;
	[tilespmem:$0x10100] =	vst v63  }
0x32: {  	s7 =	rddreg [dreg:$0x7];
	v3 =	vadd.s32 v1, v3  }
0x33: {  	[tilespmem:s7], [sflag:$0x1] =	stream.indirect_vreg.gather [hbm4b:s5+s2], $0x80, v4, vm0, $0xb8;
	[tilespmem:$0x10100] =	vst v63  }
0x34: {  	s0 =	rddreg [dreg:$0x8]  }
0x35: {  	[tilespmem:s0], [sflag:$0x1] =	stream.indirect_vreg.gather [hbm4b:s6+s2], $0x80, v4, vm0, $0xb8;
	[tilespmem:$0x10100] =	vst v63  }
0x36: {  	s7 =	rddreg [dreg:$0x9]  }
0x37: {  	[tilespmem:s7], [sflag:$0x1] =	stream.indirect_vreg.gather [hbm4b:s3+s2], $0x80, v3, vm0, $0xb8;
	[tilespmem:$0x10100] =	vst v63  }
0x38: {  	s0 =	rddreg [dreg:$0xa]  }
0x39: {  	[tilespmem:s0], [sflag:$0x1] =	stream.indirect_vreg.gather [hbm4b:s4+s2], $0x80, v3, vm0, $0xb8;
	[tilespmem:$0x10100] =	vst v63  }
0x3a: {  	s7 =	rddreg [dreg:$0xb]  }
0x3b: {  	[tilespmem:s7], [sflag:$0x1] =	stream.indirect_vreg.gather [hbm4b:s5+s2], $0x80, v3, vm0, $0xb8;
	[tilespmem:$0x10100] =	vst v63  }
0x3c: {  	s0 =	rddreg [dreg:$0xc]  }
0x3d: {  	[tilespmem:s0], [sflag:$0x1] =	stream.indirect_vreg.gather [hbm4b:s6+s2], $0x80, v3, vm0, $0xb8;
	[tilespmem:$0x10100] =	vst v63  }
0x3e: {  	v3 =	vld [tilespmem:$0x10010];
	_ =	sdelay $0x4  }
0x3f: {  	v61 =	vshll.u32 v3, $0x3  }
0x40: {  	v3 =	vand.u32 $0x7, v3;
	v4 =	vand.u32 $0xFFFFFFC0, v61  }
0x41: {  	v3 =	vor.u32 v3, v4  }
0x42: {  	v4 =	vperm.xlane v3, v0;
	_ =	sdelay $0x1  }
0x43: {  	v4 =	vadd.s32 v1, v4;
	_ =	sdelay $0x3  }
0x44: {  	s0 =	rddreg [dreg:$0xd]  }
0x45: {  	[tilespmem:s0], [sflag:$0x1] =	stream.indirect_vreg.gather [hbm4b:s3+s2], $0x80, v4, vm0, $0xb8;
	[tilespmem:$0x10100] =	vst v63  }
0x46: {  	s7 =	rddreg [dreg:$0xe];
	v3 =	vperm.xlane v3, v2  }
0x47: {  	[tilespmem:s7], [sflag:$0x1] =	stream.indirect_vreg.gather [hbm4b:s4+s2], $0x80, v4, vm0, $0xb8;
	[tilespmem:$0x10100] =	vst v63  }
0x48: {  	v3 =	vadd.s32 v1, v3;
	s0 =	rddreg [dreg:$0xf]  }
0x49: {  	[tilespmem:s0], [sflag:$0x1] =	stream.indirect_vreg.gather [hbm4b:s5+s2], $0x80, v4, vm0, $0xb8;
	[tilespmem:$0x10100] =	vst v63  }
0x4a: {  	s7 =	rddreg [dreg:$0x10]  }
0x4b: {  	[tilespmem:s7], [sflag:$0x1] =	stream.indirect_vreg.gather [hbm4b:s6+s2], $0x80, v4, vm0, $0xb8;
	[tilespmem:$0x10100] =	vst v63  }
0x4c: {  	s0 =	rddreg [dreg:$0x11]  }
0x4d: {  	[tilespmem:s0], [sflag:$0x1] =	stream.indirect_vreg.gather [hbm4b:s3+s2], $0x80, v3, vm0, $0xb8;
	[tilespmem:$0x10100] =	vst v63  }
0x4e: {  	s7 =	rddreg [dreg:$0x12]  }
0x4f: {  	[tilespmem:s7], [sflag:$0x1] =	stream.indirect_vreg.gather [hbm4b:s4+s2], $0x80, v3, vm0, $0xb8;
	[tilespmem:$0x10100] =	vst v63  }
0x50: {  	s0 =	rddreg [dreg:$0x13]  }
0x51: {  	[tilespmem:s0], [sflag:$0x1] =	stream.indirect_vreg.gather [hbm4b:s5+s2], $0x80, v3, vm0, $0xb8;
	[tilespmem:$0x10100] =	vst v63  }
0x52: {  	s7 =	rddreg [dreg:$0x14]  }
0x53: {  	[tilespmem:s7], [sflag:$0x1] =	stream.indirect_vreg.gather [hbm4b:s6+s2], $0x80, v3, vm0, $0xb8;
	[tilespmem:$0x10100] =	vst v63  }
0x54: {  	v3 =	vld [tilespmem:$0x10080];
	_ =	sdelay $0x4  }
0x55: {  	v62 =	vshll.u32 v3, $0x3  }
0x56: {  	v3 =	vand.u32 $0x7, v3;
	v4 =	vand.u32 $0xFFFFFFC0, v62  }
0x57: {  	v3 =	vor.u32 v3, v4  }
0x58: {  	v4 =	vperm.xlane v3, v0;
	_ =	sdelay $0x1  }
0x59: {  	v4 =	vadd.s32 v1, v4;
	_ =	sdelay $0x4  }
0x5a: {  	[tilespmem:s11], [sflag:$0x1] =	stream.indirect_vreg.gather [hbm4b:s3+s2], $0x80, v4, vm0, $0xb8;
	[tilespmem:$0x10100] =	vst v63  }
0x5b: {  	v3 =	vperm.xlane v3, v2  }
0x5c: {  	[tilespmem:s12], [sflag:$0x1] =	stream.indirect_vreg.gather [hbm4b:s4+s2], $0x80, v4, vm0, $0xb8;
	[tilespmem:$0x10100] =	vst v63  }
0x5d: {  	v3 =	vadd.s32 v1, v3  }
0x5e: {  	[tilespmem:s13], [sflag:$0x1] =	stream.indirect_vreg.gather [hbm4b:s5+s2], $0x80, v4, vm0, $0xb8;
	[tilespmem:$0x10100] =	vst v63  }
0x5f: {  	_ = 	snop  }
0x60: {  	[tilespmem:s14], [sflag:$0x1] =	stream.indirect_vreg.gather [hbm4b:s6+s2], $0x80, v4, vm0, $0xb8;
	[tilespmem:$0x10100] =	vst v63  }
0x61: {  	_ = 	snop  }
0x62: {  	[tilespmem:s15], [sflag:$0x1] =	stream.indirect_vreg.gather [hbm4b:s3+s2], $0x80, v3, vm0, $0xb8;
	[tilespmem:$0x10100] =	vst v63  }
0x63: {  	_ = 	snop  }
0x64: {  	[tilespmem:s16], [sflag:$0x1] =	stream.indirect_vreg.gather [hbm4b:s4+s2], $0x80, v3, vm0, $0xb8;
	[tilespmem:$0x10100] =	vst v63  }
0x65: {  	_ = 	snop  }
0x66: {  	[tilespmem:s17], [sflag:$0x1] =	stream.indirect_vreg.gather [hbm4b:s5+s2], $0x80, v3, vm0, $0xb8;
	[tilespmem:$0x10100] =	vst v63  }
0x67: {  	_ = 	snop  }
0x68: {  	[tilespmem:s18], [sflag:$0x1] =	stream.indirect_vreg.gather [hbm4b:s6+s2], $0x80, v3, vm0, $0xb8;
	[tilespmem:$0x10100] =	vst v63  }
0x69: {  	v3 =	vld [tilespmem:$0x10090];
	_ =	sdelay $0x4  }
0x6a: {  	v63 =	vshll.u32 v3, $0x3  }
0x6b: {  	v3 =	vand.u32 $0x7, v3;
	v4 =	vand.u32 $0xFFFFFFC0, v63  }
0x6c: {  	v3 =	vor.u32 v3, v4  }
0x6d: {  	v4 =	vperm.xlane v3, v0;
	_ =	sdelay $0x1  }
0x6e: {  	v4 =	vadd.s32 v1, v4;
	_ =	sdelay $0x4  }
0x6f: {  	[tilespmem:s19], [sflag:$0x1] =	stream.indirect_vreg.gather [hbm4b:s3+s2], $0x80, v4, vm0, $0xb8;
	[tilespmem:$0x10100] =	vst v63  }
0x70: {  	v3 =	vperm.xlane v3, v2  }
0x71: {  	[tilespmem:s20], [sflag:$0x1] =	stream.indirect_vreg.gather [hbm4b:s4+s2], $0x80, v4, vm0, $0xb8;
	[tilespmem:$0x10100] =	vst v63  }
0x72: {  	v3 =	vadd.s32 v1, v3  }
0x73: {  	[tilespmem:s21], [sflag:$0x1] =	stream.indirect_vreg.gather [hbm4b:s5+s2], $0x80, v4, vm0, $0xb8;
	[tilespmem:$0x10100] =	vst v63  }
0x74: {  	_ = 	snop  }
0x75: {  	[tilespmem:s22], [sflag:$0x1] =	stream.indirect_vreg.gather [hbm4b:s6+s2], $0x80, v4, vm0, $0xb8;
	[tilespmem:$0x10100] =	vst v63  }
0x76: {  	_ = 	snop  }
0x77: {  	[tilespmem:s23], [sflag:$0x1] =	stream.indirect_vreg.gather [hbm4b:s3+s2], $0x80, v3, vm0, $0xb8;
	[tilespmem:$0x10100] =	vst v63  }
0x78: {  	_ = 	snop  }
0x79: {  	[tilespmem:s24], [sflag:$0x1] =	stream.indirect_vreg.gather [hbm4b:s4+s2], $0x80, v3, vm0, $0xb8;
	[tilespmem:$0x10100] =	vst v63  }
0x7a: {  	_ = 	snop  }
0x7b: {  	[tilespmem:s25], [sflag:$0x1] =	stream.indirect_vreg.gather [hbm4b:s5+s2], $0x80, v3, vm0, $0xb8;
	[tilespmem:$0x10100] =	vst v63  }
0x7c: {  	_ = 	snop  }
0x7d: {  	[tilespmem:s26], [sflag:$0x1] =	stream.indirect_vreg.gather [hbm4b:s6+s2], $0x80, v3, vm0, $0xb8;
	[tilespmem:$0x10100] =	vst v63  }
0x7e: {  	_ =	swait.ge [sflag:s28], $0x8000  }
0x7f: {  	[sflag:s28] =	ssyncset.done $0x0  }
0x80: {  	[sflag:s28] =	ssyncadd.s32 $0xFFFF8000  }
0x81: {  	_ =	swait.ge [sflag:s28], $0x8000  }
0x82: {  	[sflag:s28] =	ssyncset.done $0x0  }
0x83: {  	[sflag:s28] =	ssyncadd.s32 $0xFFFF8000  }
0x84: {  	[hbm4b:s31+s2] =	stream.linear.scatter [tilespmem:s2], [sflag:$0x2], $0x8000, $0x38;
	[tilespmem:$0x10100] =	vst v63  }
0x85: {  	_ =	swait.ge [sflag:s10], $0x8000  }
0x86: {  	p0 =	sne.s32 s1, $0xC;
	[sflag:s10] =	ssyncset.done $0x0  }
.Ltmp0:
0x87: {  	[sflag:s10] =	ssyncadd.s32 $0xFFFF8000;
	(pc) =	sbr.rel @p0 .LBB2_2-.Ltmp0, $4  }
0x88: {  	[hbm4b:s30+s2] =	stream.linear.scatter [tilespmem:s11], [sflag:$0x2], $0x8000, $0x38;
	[tilespmem:$0x10100] =	vst v63  }
0x89: {  	_ =	swait.ge [sflag:s10], $0x8000  }
0x8a: {  	s1 =	sadd.s32 $0x4, s1;
	[sflag:s10] =	ssyncset.done $0x0  }
0x8b: {  	s31 =	sadd.s32 $0x1000, s31;
	s30 =	sadd.s32 $0x1000, s30;
	[sflag:s10] =	ssyncadd.s32 $0xFFFF8000  }
0x8c: {  	s29 =	sadd.s32 $0x1, s29;
	s0 =	rddreg [dreg:$0x15]  }
0x8d: {  	p0 =	sne.s32 s29, s0  }
.Ltmp1:
0x8e: {  	_ = 	snop;
	(pc) =	sbr.rel @p0 .LBB2_1-.Ltmp1, $1  }
0x8f: {  	_ =	sdelay $0x3  }
0x90: {  	_ =	sfence.sel $0x180000  }
0x91: {  	[bflag:$0x0] =	sbarrier.arrive $0xFFFF  }
0x92: {  	_ =	strace $0x9000004A  }
0x93: {  	s0 =	stileid.u32;
	[bflag:$0x2] =	sbarrier.arrive $0xFFFF  }
0x94: {  	p0 =	sne.s32 s0, $0x0;
	s0 =	rddreg [dreg:$0x1]  }
0x95: {  	s0 =	sadd.s32 @!p0 $0x100000, s0  }
0x96: {  	[sflag:s0] =	ssyncadd.tile.s32 @!p0 $0x1;
	_ =	shalt  }
.Lfunc_end2:
_tile_overlayer_lowered:
.L_overlay_start_2:
0x97: {  	(tag) =	ssettag $0x2  }
0x98: {  	s0 =	rddreg [dreg:$0x0];
	s2 =	stileid.u32  }
0x99: {  	s1 =	rddreg [dreg:$0x1];
	p0 =	sne.s32 s2, $0x0  }
0x9a: {  	s3 =	rddreg [dreg:$0x2];
	[bflag:$0x3] =	sbarrier.arrive $0xFFFF;
	s2 =	simm.s32 @!p0 $0x1C02  }
0x9b: {  	[timem:s3], [sflag:s2] =	dma.local @!p0 [hbm:s0], s1  }
0x9c: {  	s0 =	simm.s32 @!p0 $0x2  }
0x9d: {  	_ =	swait.ge @!p0 [sflag:s0], s1  }
0x9e: {  	s1 =	ssub.s32 @!p0 $0x0, s1;
	[sflag:s0] =	ssyncset.done @!p0 $0x0  }
0x9f: {  	[sflag:s0] =	ssyncadd.s32 @!p0 s1  }
0xa0: {  	[bflag:$0x3] =	sbarrier.arrive $0xFFFF  }
0xa1: {  	_ =	shalt  }

// kernel: kernel.7.cloned.1.call-start
scs
__scs_entry_jumppad:
0x0: {  	(pc) =	sbr.rel $0x88, $3  }
0x1: {  	(tag) =	ssettag $0x0;
	lr =	simm.s32 $0x1  }
0x2: {  	[smem:$0x3F96] =	sst lr;
	_ =	strace $0xD0000000  }
0x3: {  	_ = 	snop  }
0x4: {  	_ = 	snop  }
0x5: {  	_ = 	snop  }
0x6: {  	_ = 	snop  }
0x7: {  	_ = 	snop  }
__scs_overlays_trampoline_lowered:
0x8: {  	[smem:$0x3FA5] =	sst s0  }
0x9: {  	[smem:$0x3FA6] =	sst s1  }
0xa: {  	[smem:$0x3FA7] =	sst s2  }
0xb: {  	[smem:$0x3FA8] =	sst s3  }
0xc: {  	[smem:$0x3FA9] =	sst s4  }
0xd: {  	[smem:$0x3FAA] =	sst s5  }
0xe: {  	[smem:$0x3FAB] =	sst s6  }
0xf: {  	[smem:$0x3FAC] =	sst s7  }
0x10: {  	[smem:$0x3FAD] =	sst s8  }
0x11: {  	[smem:$0x3FAE] =	sst s9;
	s0 =	simm.s32 @!p0 $0x0  }
0x12: {  	s1 =	sld [smem:$0x3F94];
	s0 =	simm.s32 @p0 $0x1  }
0x13: {  	[smem:$0x3FAF] =	sst s0;
	s0 =	simm.s32 @!p1 $0x0  }
0x14: {  	s2 =	sld [smem:$0x3F93];
	s0 =	simm.s32 @p1 $0x1  }
0x15: {  	[smem:$0x3FB0] =	sst s0;
	s0 =	simm.s32 @!p2 $0x0  }
0x16: {  	s3 =	sld [smem:$0x3FDB];
	s0 =	simm.s32 @p2 $0x1  }
0x17: {  	s4 =	simm.s32 $0x1BF5;
	[smem:$0x3FB2] =	sst s0  }
0x18: {  	s0 =	sld [smem:$0x3F95];
	_ =	swait.ge [sflag:s4], $0x0  }
0x19: {  	s7 =	sld [smem:$0x3F96]  }
0x1a: {  	s8 =	sadd.s32 $0xFFFFE003, lr  }
0x1b: {  	s9 =	sadd.s32 $0xFFFFFEF7, lr;
	s5 =	simm.s32 $0xFFFFFFFF;
	p2 =	slt.u32 s8, $0xFFFFF086  }
0x1c: {  	p1 =	slt.u32 s9, $0xF7A;
	s5 =	simm.s32 @!p2 $0x0  }
0x1d: {  	s5 =	simm.s32 @p1 $0x1;
	p0 =	seq.s32 s7, s2  }
0x1e: {  	s7 =	smul.u32 @!p0 $0xF7A, s2;
	p2 =	seq.s32 @!p0 s5, $0x0  }
0x1f: {  	s9 =	smul.u32 $0xF7A, s1;
	s8 =	simm.s32 @!p0 $0x1BF5;
	p2 =	por !p2, p0  }
0x20: {  	[sflag:s8] =	ssyncset.s32 @!p0 $0xFFFFF086;
	s6 =	sadd.s32 @!p0 s3, s7;
	s7 =	simm.s32 @!p0 $0x108  }
0x21: {  	s3 =	sadd.s32 s3, s9;
	s6 =	sadd.s32 @!p0 $0x88, s6;
	s7 =	simm.s32 @p2 $0x1082  }
0x22: {  	[simem:s7], [sflag:s8] =	dma.local @!p0 [hbm:s6], $0xF7A  }
0x23: {  	s9 =	sor.u32 $0xD0000000, s2;
	s6 =	simm.s32 $0x108;
	_ =	swait.ge @!p0 [sflag:s8], $0x0  }
0x24: {  	s3 =	sadd.s32 $0x88, s3;
	s6 =	simm.s32 @!p1 $0x1082;
	[sflag:s4] =	ssyncset.s32 $0xFFFFF086  }
0x25: {  	[simem:s6], [sflag:s4] =	dma.local [hbm:s3], $0xF7A  }
0x26: {  	[smem:$0x3F96] =	sst s1;
	(tag) =	ssettag s2;
	_ =	strace s9  }
0x27: {  	s1 =	sld [smem:$0x3FA6]  }
0x28: {  	s2 =	sld [smem:$0x3FA7]  }
0x29: {  	s4 =	sld [smem:$0x3FA9]  }
0x2a: {  	p0 =	seq.s32 s5, $0x0;
	s5 =	sld [smem:$0x3FAA]  }
0x2b: {  	s6 =	sld [smem:$0x3FAB]  }
0x2c: {  	s7 =	sld [smem:$0x3FAC]  }
0x2d: {  	s3 =	simm.s32 $0x108;
	s8 =	sld [smem:$0x3FAD]  }
0x2e: {  	s3 =	simm.s32 @!p0 $0x1082;
	s9 =	sld [smem:$0x3FAE]  }
0x2f: {  	lr =	sadd.s32 s0, s3;
	s0 =	sld [smem:$0x3FA5]  }
0x30: {  	s3 =	sld [smem:$0x3FA8]  }
0x31: {  	[smem:$0x3FB1] =	sst s10  }
0x32: {  	s10 =	sld [smem:$0x3FAF];
	_ =	sdelay $0x3  }
0x33: {  	p0 =	seq.s32 s10, $0x1;
	s10 =	sld [smem:$0x3FB1];
	_ =	sdelay $0x3  }
0x34: {  	[smem:$0x3FB1] =	sst s10  }
0x35: {  	s10 =	sld [smem:$0x3FB0];
	_ =	sdelay $0x3  }
0x36: {  	p1 =	seq.s32 s10, $0x1;
	s10 =	sld [smem:$0x3FB1];
	_ =	sdelay $0x3  }
0x37: {  	[smem:$0x3FB1] =	sst s10  }
0x38: {  	s10 =	sld [smem:$0x3FB2]  }
0x39: {  	_ = 	snop;
	(pc) =	sbr.ind lr, $3  }
0x3a: {  	_ = 	snop  }
0x3b: {  	_ = 	snop  }
0x3c: {  	p2 =	seq.s32 s10, $0x1;
	s10 =	sld [smem:$0x3FB1]  }
0x3d: {  	_ =	shalt  }
0x3e: {  	_ =	shalt  }
0x3f: {  	_ =	shalt  }
0x40: {  	_ =	shalt  }
0x41: {  	_ =	shalt  }
0x42: {  	_ =	shalt  }
0x43: {  	_ =	shalt  }
0x44: {  	_ =	shalt  }
0x45: {  	_ =	shalt  }
0x46: {  	_ =	shalt  }
0x47: {  	_ =	shalt  }
0x48: {  	_ =	shalt  }
0x49: {  	_ =	shalt  }
0x4a: {  	_ =	shalt  }
0x4b: {  	_ =	shalt  }
0x4c: {  	_ =	shalt  }
0x4d: {  	_ =	shalt  }
0x4e: {  	_ =	shalt  }
0x4f: {  	_ =	shalt  }
0x50: {  	_ =	shalt  }
0x51: {  	_ =	shalt  }
0x52: {  	_ =	shalt  }
0x53: {  	_ =	shalt  }
0x54: {  	_ =	shalt  }
0x55: {  	_ =	shalt  }
0x56: {  	_ =	shalt  }
0x57: {  	_ =	shalt  }
0x58: {  	_ =	shalt  }
0x59: {  	_ =	shalt  }
0x5a: {  	_ =	shalt  }
0x5b: {  	_ =	shalt  }
0x5c: {  	_ =	shalt  }
0x5d: {  	_ =	shalt  }
0x5e: {  	_ =	shalt  }
0x5f: {  	_ =	shalt  }
0x60: {  	_ =	shalt  }
0x61: {  	_ =	shalt  }
0x62: {  	_ =	shalt  }
0x63: {  	_ =	shalt  }
0x64: {  	_ =	shalt  }
0x65: {  	_ =	shalt  }
0x66: {  	_ =	shalt  }
0x67: {  	_ =	shalt  }
0x68: {  	_ =	shalt  }
0x69: {  	_ =	shalt  }
0x6a: {  	_ =	shalt  }
0x6b: {  	_ =	shalt  }
0x6c: {  	_ =	shalt  }
0x6d: {  	_ =	shalt  }
0x6e: {  	_ =	shalt  }
0x6f: {  	_ =	shalt  }
0x70: {  	_ =	shalt  }
0x71: {  	_ =	shalt  }
0x72: {  	_ =	shalt  }
0x73: {  	_ =	shalt  }
0x74: {  	_ =	shalt  }
0x75: {  	_ =	shalt  }
0x76: {  	_ =	shalt  }
0x77: {  	_ =	shalt  }
0x78: {  	_ =	shalt  }
0x79: {  	_ =	shalt  }
0x7a: {  	_ =	shalt  }
0x7b: {  	_ =	shalt  }
0x7c: {  	_ =	shalt  }
0x7d: {  	_ =	shalt  }
0x7e: {  	_ =	shalt  }
0x7f: {  	_ =	shalt  }
0x80: {  	_ =	shalt  }
0x81: {  	_ =	shalt  }
0x82: {  	_ =	shalt  }
0x83: {  	_ =	shalt  }
0x84: {  	_ =	shalt  }
0x85: {  	_ =	shalt  }
0x86: {  	_ =	shalt  }
0x87: {  	_ =	shalt  }
.Lfunc_end0:
.L_simem_size_0:
called_computation_lowered:
.L_overlay_start_0:
0x88: {  	s2 =	sld [smem:$0x3FD9]  }
0x89: {  	s3 =	sld [smem:$0x3FFE];
	_ =	sdelay $0x1  }
0x8a: {  	s1 =	srdreg.scid  }
0x8b: {  	s0 =	sand.u32 $0x1, s1  }
0x8c: {  	s17 =	sshll.u32 s0, $0xA;
	s2 =	sadd.s32 s3, s2  }
0x8d: {  	s2 =	sadd.s32 s2, s17  }
0x8e: {  	[smem:$0x3FBD] =	sst s2  }
0x8f: {  	_ = 	snop  }
0x90: {  	s2 =	sld [smem:$0x3FC9];
	(tm) =	ssettm $0x1  }
0x91: {  	s18 =	sld [smem:$0x3FFB];
	_ =	sdelay $0x3  }
0x92: {  	_ =	strace s18  }
0x93: {  	s3 =	sld [smem:$0x3FFC];
	_ =	sdelay $0x3  }
0x94: {  	_ =	strace s3  }
0x95: {  	s3 =	sld [smem:$0x3FFD];
	_ =	sdelay $0x3  }
0x96: {  	_ =	strace s3  }
0x97: {  	_ =	strace $0x8FFFFFFF  }
0x98: {  	s19 =	sld [smem:$0x3FDB];
	_ =	sdelay $0x1  }
0x99: {  	s4 =	simm.s32 $_scs_section_size  }
0x9a: {  	s5 =	simm.s32 $_size__tile_overlayer_lowered;
	s6 =	simm.s32 $_tile_overlayer_lowered  }
0x9b: {  	s22 =	simm.s32 $0x1BFF;
	s21 =	sshll.u32 s6, $0x1;
	s3 =	sadd.s32 s4, s19  }
0x9c: {  	s7 =	simm.s32 $0x0;
	s20 =	sshll.u32 s5, $0x1;
	s5 =	sadd.s32 s21, s3  }
0x9d: {  	[timem:s7], [sflag:s22] =	dma.local [hbm:s5], s20  }
0x9e: {  	_ =	swait.ge [sflag:s22], s20  }
0x9f: {  	s4 =	ssub.s32 $0x0, s20;
	[sflag:s22] =	ssyncset.done $0x0  }
0xa0: {  	[sflag:s22] =	ssyncadd.s32 s4;
	_ =	sdelay $0x1  }
0xa1: {  	s23 =	simm.s32 $0x1B8B  }
0xa2: {  	_ =	swait.ge [sflag:s23], $0x1  }
0xa3: {  	[sflag:s23] =	ssyncset.done $0x0  }
0xa4: {  	s25 =	simm.s32 $0x1B8E;
	s24 =	sld [smem:$0x3FFE];
	[sflag:s23] =	ssyncadd.s32 $0xFFFFFFFF  }
0xa5: {  	s26 =	simm.s32 $execute0_lowered;
	[smem:$0x3FD2] =	sst s25  }
0xa6: {  	s5 =	sshll.u32 s26, $0x1;
	_ =	strace $0x80000046;
	[dreg:$0x1] =	wrdreg $0xFFFFFFFF  }
0xa7: {  	s28 =	simm.s32 $_size_execute0_lowered;
	s3 =	sadd.s32 s3, s5;
	[dreg:$0x0] =	wrdreg $0x0  }
0xa8: {  	s5 =	sshll.u32 s28, $0x1;
	[dreg:$0x2] =	wrdreg s3  }
0xa9: {  	[dreg:$0x3] =	wrdreg s5  }
0xaa: {  	[dreg:$0x4] =	wrdreg $0xC0  }
0xab: {  	_ =	task [dreg:s7], $0x5FFFF  }
0xac: {  	[dreg:$0x1] =	wrdreg $0xFFFFFFFF  }
0xad: {  	[dreg:$0x0] =	wrdreg $0x60  }
0xae: {  	[dreg:$0x2] =	wrdreg s2  }
0xaf: {  	[dreg:$0x3] =	wrdreg s24  }
0xb0: {  	[dreg:$0x4] =	wrdreg $0x9  }
0xb1: {  	_ =	task.clear_ibuf [dreg:s7], $0x5FFFF;
	_ =	strace $0x90000046  }
0xb2: {  	s29 =	simm.s32 $0x9;
	_ =	strace $0x80000048  }
0xb3: {  	_ =	swait.ge [sflag:s29], $0x1  }
0xb4: {  	[sflag:s29] =	ssyncadd.s32 $0xFFFFFFFF  }
0xb5: {  	_ =	strace $0x90000048  }
0xb6: {  	_ =	sfence  }
0xb7: {  	s30 =	sld [smem:$0x0];
	_ =	sdelay $0x2  }
0xb8: {  	s31 =	sshll.u32 s1, $0xD;
	s1 =	sshrl.u32 s1, $0x2  }
0xb9: {  	s3 =	sand.u32 $0x4000, s31;
	s1 =	sadd.s32 s1, s30  }
0xba: {  	s0 =	sor.u32 s3, s0;
	s1 =	sshll.u32 s1, $0x11  }
0xbb: {  	s0 =	sor.u32 s1, s0  }
0xbc: {  	s0 =	sadd.s32 $0x8F2B, s0  }
0xbd: {  	[sflag:s0] =	ssyncadd.remote.s32 $0x1  }
0xbe: {  	_ =	sfence.sel $0xFFFF  }
0xbf: {  	[dreg:$0x0] =	wrdreg $0xFFFFFFFF;
	(pc) =	sbr.abs _section_cstart, $3  }
0xc0: {  	[dreg:$0x1] =	wrdreg $0xFFFFFFFF  }
0xc1: {  	_ =	task.clear_ibuf [dreg:s7], $0x2FFFF;
	_ =	strace $0x9FFFFFFF  }
0xc2: {  	(tm) =	ssettm $0x7FFFFFFF  }
0xc3: {  	_ =	shalt  }
tec
execute0_lowered:
.L_overlay_start_1:
0x0: {  	(tag) =	ssettag $0x1  }
0x1: {  	s0 =	rddreg [dreg:$0x0]  }
0x2: {  	s1 =	rddreg [dreg:$0x1];
	s2 =	simm.s32 $0x0  }
0x3: {  	s3 =	srdreg.scid;
	s5 =	stileid.u32;
	s28 =	simm.s32 $0x10000  }
0x4: {  	s29 =	simm.s32 $0x10080;
	s30 =	simm.s32 $0x10100;
	s31 =	simm.s32 $0x10180  }
0x5: {  	s16 =	simm.s32 $0x1;
	[smem:$0x7FF] =	sst s2;
	s4 =	sand.u32 $0x1, s3  }
0x6: {  	s20 =	sshll.u32 s5, $0x8;
	_ =	strace $0x80000047;
	[dreg:$0x9] =	wrdreg s28  }
0x7: {  	s6 =	sadd.s32 $0x2E00, s1;
	s7 =	sadd.s32 $0x3000, s1;
	[dreg:$0xa] =	wrdreg s29  }
0x8: {  	s3 =	sadd.s32 $0x3600, s1;
	s21 =	sshll.u32 s4, $0x7;
	[dreg:$0xb] =	wrdreg s30  }
0x9: {  	s4 =	ssub.s32 $0x2, s4;
	[dreg:$0xc] =	wrdreg s31;
	s5 =	sor.u32 s21, s20  }
0xa: {  	s9 =	sshrl.u32 s4, $0x1;
	s8 =	sshrl.u32 s5, $0x3;
	s11 =	sor.u32 $0x40, s5  }
0xb: {  	s9 =	ssub.s32 s4, s9;
	s5 =	sshll.u32 s5, $0x7;
	s10 =	sadd.s32 s6, s8  }
0xc: {  	s4 =	sadd.s32 $0x3700, s1;
	s8 =	sadd.s32 s7, s8;
	[dreg:$0x3] =	wrdreg s10  }
0xd: {  	s22 =	sshrl.u32 s11, $0x3;
	s25 =	sadd.s32 s0, s5;
	[dreg:$0x4] =	wrdreg s8  }
0xe: {  	s26 =	sshll.u32 s11, $0x7;
	s23 =	sadd.s32 s6, s22;
	[dreg:$0x7] =	wrdreg s25  }
0xf: {  	v2 =	vlaneseq.u32;
	s5 =	sadd.s32 $0x3800, s1;
	s24 =	sadd.s32 s7, s22;
	[dreg:$0x5] =	wrdreg s23  }
0x10: {  	vm0 =	vmmov $0xffff;
	v1 =	vshrl.u32 v2, $0x3;
	s0 =	sadd.s32 s0, s26;
	s6 =	sadd.s32 $0x3900, s1;
	[dreg:$0x6] =	wrdreg s24  }
0x11: {  	v0 =	vand.u32 $0x7, v2;
	v2 =	vor.u32 $0x8, v2;
	v1 =	vmul.u32 $0x8, v1;
	s7 =	smax.u32 s9, $0x1;
	s8 =	simm.s32 $0x2;
	[dreg:$0x8] =	wrdreg s0  }
.LBB2_1:
0x12: {  	s17 =	rddreg [dreg:$0x3]  }
0x13: {  	s18 =	rddreg [dreg:$0x9]  }
0x14: {  	[tilespmem:s18], [sflag:$0x2] =	stream.linear.gather [hbm4b:s17+s2], $0x40, $0x38;
	[tilespmem:$0x10200] =	vst v63  }
0x15: {  	_ =	swait.ge [sflag:s8], $0x40  }
0x16: {  	s14 =	rddreg [dreg:$0x4];
	[sflag:s8] =	ssyncset.done $0x0  }
0x17: {  	s15 =	rddreg [dreg:$0xa];
	[sflag:s8] =	ssyncadd.s32 $0xFFFFFFC0  }
0x18: {  	[tilespmem:s15], [sflag:$0x2] =	stream.linear.gather [hbm4b:s14+s2], $0x40, $0x38;
	[tilespmem:$0x10200] =	vst v63  }
0x19: {  	_ =	swait.ge [sflag:s8], $0x40  }
0x1a: {  	s18 =	rddreg [dreg:$0x5];
	[sflag:s8] =	ssyncset.done $0x0  }
0x1b: {  	s19 =	rddreg [dreg:$0xb];
	[sflag:s8] =	ssyncadd.s32 $0xFFFFFFC0  }
0x1c: {  	[tilespmem:s19], [sflag:$0x2] =	stream.linear.gather [hbm4b:s18+s2], $0x40, $0x38;
	[tilespmem:$0x10200] =	vst v63  }
0x1d: {  	_ =	swait.ge [sflag:s8], $0x40  }
0x1e: {  	s20 =	rddreg [dreg:$0x6];
	[sflag:s8] =	ssyncset.done $0x0  }
0x1f: {  	s21 =	rddreg [dreg:$0xc];
	[sflag:s8] =	ssyncadd.s32 $0xFFFFFFC0  }
0x20: {  	[tilespmem:s21], [sflag:$0x2] =	stream.linear.gather [hbm4b:s20+s2], $0x40, $0x38;
	[tilespmem:$0x10200] =	vst v63  }
0x21: {  	_ =	swait.ge [sflag:s8], $0x40  }
0x22: {  	[sflag:s8] =	ssyncset.done $0x0  }
0x23: {  	s22 =	rddreg [dreg:$0x7];
	[sflag:s8] =	ssyncadd.s32 $0xFFFFFFC0  }
0x24: {  	[tilespmem:s2], [sflag:$0x2] =	stream.linear.gather [hbm4b:s22+s2], $0x10000, $0x38;
	[tilespmem:$0x10200] =	vst v63  }
0x25: {  	_ =	swait.ge [sflag:s8], $0x10000  }
0x26: {  	[sflag:s8] =	ssyncset.done $0x0  }
0x27: {  	[sflag:s8] =	ssyncadd.s32 $0xFFFF0000  }
0x28: {  	v3 =	vld [tilespmem:$0x10000];
	_ =	sdelay $0x4  }
0x29: {  	v4 =	vshll.u32 v3, $0x3  }
0x2a: {  	v3 =	vand.u32 $0x7, v3;
	v4 =	vand.u32 $0xFFFFFFC0, v4  }
0x2b: {  	v3 =	vor.u32 v3, v4  }
0x2c: {  	v4 =	vperm.xlane v3, v0;
	_ =	sdelay $0x1  }
0x2d: {  	v4 =	vadd.s32 v1, v4;
	_ =	sdelay $0x4  }
0x2e: {  	[hbm4b:s3+s2] =	stream.indirect_vreg.scatter [tilespmem:s2], [sflag:$0x1], $0x80, v4, vm0, $0xb8;
	[tilespmem:$0x10200] =	vst v63  }
0x2f: {  	s0 =	simm.s32 $0x800;
	v3 =	vperm.xlane v3, v2  }
0x30: {  	[hbm4b:s4+s2] =	stream.indirect_vreg.scatter [tilespmem:s0], [sflag:$0x1], $0x80, v4, vm0, $0xb8;
	[tilespmem:$0x10200] =	vst v63  }
0x31: {  	s23 =	simm.s32 $0x1000;
	v3 =	vadd.s32 v1, v3  }
0x32: {  	[hbm4b:s5+s2] =	stream.indirect_vreg.scatter [tilespmem:s23], [sflag:$0x1], $0x80, v4, vm0, $0xb8;
	[tilespmem:$0x10200] =	vst v63  }
0x33: {  	s24 =	simm.s32 $0x1800  }
0x34: {  	[hbm4b:s6+s2] =	stream.indirect_vreg.scatter [tilespmem:s24], [sflag:$0x1], $0x80, v4, vm0, $0xb8;
	[tilespmem:$0x10200] =	vst v63  }
0x35: {  	s25 =	simm.s32 $0x2000  }
0x36: {  	[hbm4b:s3+s2] =	stream.indirect_vreg.scatter [tilespmem:s25], [sflag:$0x1], $0x80, v3, vm0, $0xb8;
	[tilespmem:$0x10200] =	vst v63  }
0x37: {  	s26 =	simm.s32 $0x2800  }
0x38: {  	[hbm4b:s4+s2] =	stream.indirect_vreg.scatter [tilespmem:s26], [sflag:$0x1], $0x80, v3, vm0, $0xb8;
	[tilespmem:$0x10200] =	vst v63  }
0x39: {  	s28 =	simm.s32 $0x3000  }
0x3a: {  	[hbm4b:s5+s2] =	stream.indirect_vreg.scatter [tilespmem:s28], [sflag:$0x1], $0x80, v3, vm0, $0xb8;
	[tilespmem:$0x10200] =	vst v63  }
0x3b: {  	s29 =	simm.s32 $0x3800  }
0x3c: {  	[hbm4b:s6+s2] =	stream.indirect_vreg.scatter [tilespmem:s29], [sflag:$0x1], $0x80, v3, vm0, $0xb8;
	[tilespmem:$0x10200] =	vst v63  }
0x3d: {  	v3 =	vld [tilespmem:$0x10010];
	_ =	sdelay $0x4  }
0x3e: {  	v49 =	vshll.u32 v3, $0x3  }
0x3f: {  	v3 =	vand.u32 $0x7, v3;
	v4 =	vand.u32 $0xFFFFFFC0, v49  }
0x40: {  	v3 =	vor.u32 v3, v4  }
0x41: {  	v4 =	vperm.xlane v3, v0;
	_ =	sdelay $0x1  }
0x42: {  	v4 =	vadd.s32 v1, v4;
	_ =	sdelay $0x3  }
0x43: {  	s30 =	simm.s32 $0x4000  }
0x44: {  	[hbm4b:s3+s2] =	stream.indirect_vreg.scatter [tilespmem:s30], [sflag:$0x1], $0x80, v4, vm0, $0xb8;
	[tilespmem:$0x10200] =	vst v63  }
0x45: {  	s31 =	simm.s32 $0x4800;
	v3 =	vperm.xlane v3, v2  }
0x46: {  	[hbm4b:s4+s2] =	stream.indirect_vreg.scatter [tilespmem:s31], [sflag:$0x1], $0x80, v4, vm0, $0xb8;
	[tilespmem:$0x10200] =	vst v63  }
0x47: {  	s15 =	simm.s32 $0x5000;
	v3 =	vadd.s32 v1, v3  }
0x48: {  	[hbm4b:s5+s2] =	stream.indirect_vreg.scatter [tilespmem:s15], [sflag:$0x1], $0x80, v4, vm0, $0xb8;
	[tilespmem:$0x10200] =	vst v63  }
0x49: {  	s17 =	simm.s32 $0x5800  }
0x4a: {  	[hbm4b:s6+s2] =	stream.indirect_vreg.scatter [tilespmem:s17], [sflag:$0x1], $0x80, v4, vm0, $0xb8;
	[tilespmem:$0x10200] =	vst v63  }
0x4b: {  	s18 =	simm.s32 $0x6000  }
0x4c: {  	[hbm4b:s3+s2] =	stream.indirect_vreg.scatter [tilespmem:s18], [sflag:$0x1], $0x80, v3, vm0, $0xb8;
	[tilespmem:$0x10200] =	vst v63  }
0x4d: {  	s19 =	simm.s32 $0x6800  }
0x4e: {  	[hbm4b:s4+s2] =	stream.indirect_vreg.scatter [tilespmem:s19], [sflag:$0x1], $0x80, v3, vm0, $0xb8;
	[tilespmem:$0x10200] =	vst v63  }
0x4f: {  	s20 =	simm.s32 $0x7000  }
0x50: {  	[hbm4b:s5+s2] =	stream.indirect_vreg.scatter [tilespmem:s20], [sflag:$0x1], $0x80, v3, vm0, $0xb8;
	[tilespmem:$0x10200] =	vst v63  }
0x51: {  	s21 =	simm.s32 $0x7800  }
0x52: {  	[hbm4b:s6+s2] =	stream.indirect_vreg.scatter [tilespmem:s21], [sflag:$0x1], $0x80, v3, vm0, $0xb8;
	[tilespmem:$0x10200] =	vst v63  }
0x53: {  	v3 =	vld [tilespmem:$0x10020];
	_ =	sdelay $0x4  }
0x54: {  	v50 =	vshll.u32 v3, $0x3  }
0x55: {  	v3 =	vand.u32 $0x7, v3;
	v4 =	vand.u32 $0xFFFFFFC0, v50  }
0x56: {  	v3 =	vor.u32 v3, v4  }
0x57: {  	v4 =	vperm.xlane v3, v0;
	_ =	sdelay $0x1  }
0x58: {  	v4 =	vadd.s32 v1, v4;
	_ =	sdelay $0x3  }
0x59: {  	s22 =	simm.s32 $0x8000  }
0x5a: {  	[hbm4b:s3+s2] =	stream.indirect_vreg.scatter [tilespmem:s22], [sflag:$0x1], $0x80, v4, vm0, $0xb8;
	[tilespmem:$0x10200] =	vst v63  }
0x5b: {  	s23 =	simm.s32 $0x8800;
	v3 =	vperm.xlane v3, v2  }
0x5c: {  	[hbm4b:s4+s2] =	stream.indirect_vreg.scatter [tilespmem:s23], [sflag:$0x1], $0x80, v4, vm0, $0xb8;
	[tilespmem:$0x10200] =	vst v63  }
0x5d: {  	s24 =	simm.s32 $0x9000;
	v3 =	vadd.s32 v1, v3  }
0x5e: {  	[hbm4b:s5+s2] =	stream.indirect_vreg.scatter [tilespmem:s24], [sflag:$0x1], $0x80, v4, vm0, $0xb8;
	[tilespmem:$0x10200] =	vst v63  }
0x5f: {  	s25 =	simm.s32 $0x9800  }
0x60: {  	[hbm4b:s6+s2] =	stream.indirect_vreg.scatter [tilespmem:s25], [sflag:$0x1], $0x80, v4, vm0, $0xb8;
	[tilespmem:$0x10200] =	vst v63  }
0x61: {  	s26 =	simm.s32 $0xA000  }
0x62: {  	[hbm4b:s3+s2] =	stream.indirect_vreg.scatter [tilespmem:s26], [sflag:$0x1], $0x80, v3, vm0, $0xb8;
	[tilespmem:$0x10200] =	vst v63  }
0x63: {  	s28 =	simm.s32 $0xA800  }
0x64: {  	[hbm4b:s4+s2] =	stream.indirect_vreg.scatter [tilespmem:s28], [sflag:$0x1], $0x80, v3, vm0, $0xb8;
	[tilespmem:$0x10200] =	vst v63  }
0x65: {  	s29 =	simm.s32 $0xB000  }
0x66: {  	[hbm4b:s5+s2] =	stream.indirect_vreg.scatter [tilespmem:s29], [sflag:$0x1], $0x80, v3, vm0, $0xb8;
	[tilespmem:$0x10200] =	vst v63  }
0x67: {  	s30 =	simm.s32 $0xB800  }
0x68: {  	[hbm4b:s6+s2] =	stream.indirect_vreg.scatter [tilespmem:s30], [sflag:$0x1], $0x80, v3, vm0, $0xb8;
	[tilespmem:$0x10200] =	vst v63  }
0x69: {  	v3 =	vld [tilespmem:$0x10030];
	_ =	sdelay $0x4  }
0x6a: {  	v51 =	vshll.u32 v3, $0x3  }
0x6b: {  	v3 =	vand.u32 $0x7, v3;
	v4 =	vand.u32 $0xFFFFFFC0, v51  }
0x6c: {  	v3 =	vor.u32 v3, v4  }
0x6d: {  	v4 =	vperm.xlane v3, v0;
	_ =	sdelay $0x1  }
0x6e: {  	v4 =	vadd.s32 v1, v4;
	_ =	sdelay $0x3  }
0x6f: {  	s31 =	simm.s32 $0xC000  }
0x70: {  	[hbm4b:s3+s2] =	stream.indirect_vreg.scatter [tilespmem:s31], [sflag:$0x1], $0x80, v4, vm0, $0xb8;
	[tilespmem:$0x10200] =	vst v63  }
0x71: {  	s0 =	simm.s32 $0xC800;
	v3 =	vperm.xlane v3, v2  }
0x72: {  	[hbm4b:s4+s2] =	stream.indirect_vreg.scatter [tilespmem:s0], [sflag:$0x1], $0x80, v4, vm0, $0xb8;
	[tilespmem:$0x10200] =	vst v63  }
0x73: {  	s15 =	simm.s32 $0xD000;
	v3 =	vadd.s32 v1, v3  }
0x74: {  	[hbm4b:s5+s2] =	stream.indirect_vreg.scatter [tilespmem:s15], [sflag:$0x1], $0x80, v4, vm0, $0xb8;
	[tilespmem:$0x10200] =	vst v63  }
0x75: {  	s18 =	simm.s32 $0xD800  }
0x76: {  	[hbm4b:s6+s2] =	stream.indirect_vreg.scatter [tilespmem:s18], [sflag:$0x1], $0x80, v4, vm0, $0xb8;
	[tilespmem:$0x10200] =	vst v63  }
0x77: {  	s19 =	simm.s32 $0xE000  }
0x78: {  	[hbm4b:s3+s2] =	stream.indirect_vreg.scatter [tilespmem:s19], [sflag:$0x1], $0x80, v3, vm0, $0xb8;
	[tilespmem:$0x10200] =	vst v63  }
0x79: {  	s20 =	simm.s32 $0xE800  }
0x7a: {  	[hbm4b:s4+s2] =	stream.indirect_vreg.scatter [tilespmem:s20], [sflag:$0x1], $0x80, v3, vm0, $0xb8;
	[tilespmem:$0x10200] =	vst v63  }
0x7b: {  	s21 =	simm.s32 $0xF000  }
0x7c: {  	[hbm4b:s5+s2] =	stream.indirect_vreg.scatter [tilespmem:s21], [sflag:$0x1], $0x80, v3, vm0, $0xb8;
	[tilespmem:$0x10200] =	vst v63  }
0x7d: {  	s22 =	simm.s32 $0xF800  }
0x7e: {  	[hbm4b:s6+s2] =	stream.indirect_vreg.scatter [tilespmem:s22], [sflag:$0x1], $0x80, v3, vm0, $0xb8;
	[tilespmem:$0x10200] =	vst v63  }
0x7f: {  	v3 =	vld [tilespmem:$0x10080];
	_ =	sdelay $0x4  }
0x80: {  	v52 =	vshll.u32 v3, $0x3  }
0x81: {  	v3 =	vand.u32 $0x7, v3;
	v4 =	vand.u32 $0xFFFFFFC0, v52  }
0x82: {  	v3 =	vor.u32 v3, v4  }
0x83: {  	v4 =	vperm.xlane v3, v0;
	_ =	sdelay $0x1  }
0x84: {  	v4 =	vadd.s32 v1, v4;
	_ =	sdelay $0x4  }
0x85: {  	[hbm4b:s3+s2] =	stream.indirect_vreg.scatter [tilespmem:s2], [sflag:$0x1], $0x80, v4, vm0, $0xb8;
	[tilespmem:$0x10200] =	vst v63  }
0x86: {  	s13 =	simm.s32 $0x800;
	v3 =	vperm.xlane v3, v2  }
0x87: {  	[hbm4b:s4+s2] =	stream.indirect_vreg.scatter [tilespmem:s13], [sflag:$0x1], $0x80, v4, vm0, $0xb8;
	[tilespmem:$0x10200] =	vst v63  }
0x88: {  	s1 =	simm.s32 $0x1000;
	v3 =	vadd.s32 v1, v3  }
0x89: {  	[hbm4b:s5+s2] =	stream.indirect_vreg.scatter [tilespmem:s1], [sflag:$0x1], $0x80, v4, vm0, $0xb8;
	[tilespmem:$0x10200] =	vst v63  }
0x8a: {  	s9 =	simm.s32 $0x1800  }
0x8b: {  	[hbm4b:s6+s2] =	stream.indirect_vreg.scatter [tilespmem:s9], [sflag:$0x1], $0x80, v4, vm0, $0xb8;
	[tilespmem:$0x10200] =	vst v63  }
0x8c: {  	s10 =	simm.s32 $0x2000  }
0x8d: {  	[hbm4b:s3+s2] =	stream.indirect_vreg.scatter [tilespmem:s10], [sflag:$0x1], $0x80, v3, vm0, $0xb8;
	[tilespmem:$0x10200] =	vst v63  }
0x8e: {  	s11 =	simm.s32 $0x2800  }
0x8f: {  	[hbm4b:s4+s2] =	stream.indirect_vreg.scatter [tilespmem:s11], [sflag:$0x1], $0x80, v3, vm0, $0xb8;
	[tilespmem:$0x10200] =	vst v63  }
0x90: {  	s12 =	simm.s32 $0x3000  }
0x91: {  	[hbm4b:s5+s2] =	stream.indirect_vreg.scatter [tilespmem:s12], [sflag:$0x1], $0x80, v3, vm0, $0xb8;
	[tilespmem:$0x10200] =	vst v63  }
0x92: {  	s14 =	simm.s32 $0x3800  }
0x93: {  	[hbm4b:s6+s2] =	stream.indirect_vreg.scatter [tilespmem:s14], [sflag:$0x1], $0x80, v3, vm0, $0xb8;
	[tilespmem:$0x10200] =	vst v63  }
0x94: {  	v3 =	vld [tilespmem:$0x10090];
	_ =	sdelay $0x4  }
0x95: {  	v53 =	vshll.u32 v3, $0x3  }
0x96: {  	v3 =	vand.u32 $0x7, v3;
	v4 =	vand.u32 $0xFFFFFFC0, v53  }
0x97: {  	v3 =	vor.u32 v3, v4  }
0x98: {  	v4 =	vperm.xlane v3, v0;
	_ =	sdelay $0x1  }
0x99: {  	v4 =	vadd.s32 v1, v4;
	_ =	sdelay $0x3  }
0x9a: {  	s15 =	simm.s32 $0x4000  }
0x9b: {  	[hbm4b:s3+s2] =	stream.indirect_vreg.scatter [tilespmem:s15], [sflag:$0x1], $0x80, v4, vm0, $0xb8;
	[tilespmem:$0x10200] =	vst v63  }
0x9c: {  	s18 =	simm.s32 $0x4800;
	v3 =	vperm.xlane v3, v2  }
0x9d: {  	[hbm4b:s4+s2] =	stream.indirect_vreg.scatter [tilespmem:s18], [sflag:$0x1], $0x80, v4, vm0, $0xb8;
	[tilespmem:$0x10200] =	vst v63  }
0x9e: {  	s19 =	simm.s32 $0x5000;
	v3 =	vadd.s32 v1, v3  }
0x9f: {  	[hbm4b:s5+s2] =	stream.indirect_vreg.scatter [tilespmem:s19], [sflag:$0x1], $0x80, v4, vm0, $0xb8;
	[tilespmem:$0x10200] =	vst v63  }
0xa0: {  	s20 =	simm.s32 $0x5800  }
0xa1: {  	[hbm4b:s6+s2] =	stream.indirect_vreg.scatter [tilespmem:s20], [sflag:$0x1], $0x80, v4, vm0, $0xb8;
	[tilespmem:$0x10200] =	vst v63  }
0xa2: {  	s21 =	simm.s32 $0x6000  }
0xa3: {  	[hbm4b:s3+s2] =	stream.indirect_vreg.scatter [tilespmem:s21], [sflag:$0x1], $0x80, v3, vm0, $0xb8;
	[tilespmem:$0x10200] =	vst v63  }
0xa4: {  	s22 =	simm.s32 $0x6800  }
0xa5: {  	[hbm4b:s4+s2] =	stream.indirect_vreg.scatter [tilespmem:s22], [sflag:$0x1], $0x80, v3, vm0, $0xb8;
	[tilespmem:$0x10200] =	vst v63  }
0xa6: {  	s0 =	simm.s32 $0x7000  }
0xa7: {  	[hbm4b:s5+s2] =	stream.indirect_vreg.scatter [tilespmem:s0], [sflag:$0x1], $0x80, v3, vm0, $0xb8;
	[tilespmem:$0x10200] =	vst v63  }
0xa8: {  	s12 =	simm.s32 $0x7800  }
0xa9: {  	[hbm4b:s6+s2] =	stream.indirect_vreg.scatter [tilespmem:s12], [sflag:$0x1], $0x80, v3, vm0, $0xb8;
	[tilespmem:$0x10200] =	vst v63  }
0xaa: {  	v3 =	vld [tilespmem:$0x100A0];
	_ =	sdelay $0x4  }
0xab: {  	v54 =	vshll.u32 v3, $0x3  }
0xac: {  	v3 =	vand.u32 $0x7, v3;
	v4 =	vand.u32 $0xFFFFFFC0, v54  }
0xad: {  	v3 =	vor.u32 v3, v4  }
0xae: {  	v4 =	vperm.xlane v3, v0;
	_ =	sdelay $0x1  }
0xaf: {  	v4 =	vadd.s32 v1, v4;
	_ =	sdelay $0x3  }
0xb0: {  	s13 =	simm.s32 $0x8000  }
0xb1: {  	[hbm4b:s3+s2] =	stream.indirect_vreg.scatter [tilespmem:s13], [sflag:$0x1], $0x80, v4, vm0, $0xb8;
	[tilespmem:$0x10200] =	vst v63  }
0xb2: {  	s14 =	simm.s32 $0x8800;
	v3 =	vperm.xlane v3, v2  }
0xb3: {  	[hbm4b:s4+s2] =	stream.indirect_vreg.scatter [tilespmem:s14], [sflag:$0x1], $0x80, v4, vm0, $0xb8;
	[tilespmem:$0x10200] =	vst v63  }
0xb4: {  	s1 =	simm.s32 $0x9000;
	v3 =	vadd.s32 v1, v3  }
0xb5: {  	[hbm4b:s5+s2] =	stream.indirect_vreg.scatter [tilespmem:s1], [sflag:$0x1], $0x80, v4, vm0, $0xb8;
	[tilespmem:$0x10200] =	vst v63  }
0xb6: {  	s9 =	simm.s32 $0x9800  }
0xb7: {  	[hbm4b:s6+s2] =	stream.indirect_vreg.scatter [tilespmem:s9], [sflag:$0x1], $0x80, v4, vm0, $0xb8;
	[tilespmem:$0x10200] =	vst v63  }
0xb8: {  	s10 =	simm.s32 $0xA000  }
0xb9: {  	[hbm4b:s3+s2] =	stream.indirect_vreg.scatter [tilespmem:s10], [sflag:$0x1], $0x80, v3, vm0, $0xb8;
	[tilespmem:$0x10200] =	vst v63  }
0xba: {  	s11 =	simm.s32 $0xA800  }
0xbb: {  	[hbm4b:s4+s2] =	stream.indirect_vreg.scatter [tilespmem:s11], [sflag:$0x1], $0x80, v3, vm0, $0xb8;
	[tilespmem:$0x10200] =	vst v63  }
0xbc: {  	s26 =	simm.s32 $0xB000  }
0xbd: {  	[hbm4b:s5+s2] =	stream.indirect_vreg.scatter [tilespmem:s26], [sflag:$0x1], $0x80, v3, vm0, $0xb8;
	[tilespmem:$0x10200] =	vst v63  }
0xbe: {  	s23 =	simm.s32 $0xB800  }
0xbf: {  	[hbm4b:s6+s2] =	stream.indirect_vreg.scatter [tilespmem:s23], [sflag:$0x1], $0x80, v3, vm0, $0xb8;
	[tilespmem:$0x10200] =	vst v63  }
0xc0: {  	v3 =	vld [tilespmem:$0x100B0];
	_ =	sdelay $0x4  }
0xc1: {  	v55 =	vshll.u32 v3, $0x3  }
0xc2: {  	v3 =	vand.u32 $0x7, v3;
	v4 =	vand.u32 $0xFFFFFFC0, v55  }
0xc3: {  	v3 =	vor.u32 v3, v4  }
0xc4: {  	v4 =	vperm.xlane v3, v0;
	_ =	sdelay $0x1  }
0xc5: {  	v4 =	vadd.s32 v1, v4;
	_ =	sdelay $0x3  }
0xc6: {  	s24 =	simm.s32 $0xC000  }
0xc7: {  	[hbm4b:s3+s2] =	stream.indirect_vreg.scatter [tilespmem:s24], [sflag:$0x1], $0x80, v4, vm0, $0xb8;
	[tilespmem:$0x10200] =	vst v63  }
0xc8: {  	s25 =	simm.s32 $0xC800;
	v3 =	vperm.xlane v3, v2  }
0xc9: {  	[hbm4b:s4+s2] =	stream.indirect_vreg.scatter [tilespmem:s25], [sflag:$0x1], $0x80, v4, vm0, $0xb8;
	[tilespmem:$0x10200] =	vst v63  }
0xca: {  	s26 =	simm.s32 $0xD000;
	v3 =	vadd.s32 v1, v3  }
0xcb: {  	[hbm4b:s5+s2] =	stream.indirect_vreg.scatter [tilespmem:s26], [sflag:$0x1], $0x80, v4, vm0, $0xb8;
	[tilespmem:$0x10200] =	vst v63  }
0xcc: {  	s28 =	simm.s32 $0xD800  }
0xcd: {  	[hbm4b:s6+s2] =	stream.indirect_vreg.scatter [tilespmem:s28], [sflag:$0x1], $0x80, v4, vm0, $0xb8;
	[tilespmem:$0x10200] =	vst v63  }
0xce: {  	s29 =	simm.s32 $0xE000  }
0xcf: {  	[hbm4b:s3+s2] =	stream.indirect_vreg.scatter [tilespmem:s29], [sflag:$0x1], $0x80, v3, vm0, $0xb8;
	[tilespmem:$0x10200] =	vst v63  }
0xd0: {  	s30 =	simm.s32 $0xE800  }
0xd1: {  	[hbm4b:s4+s2] =	stream.indirect_vreg.scatter [tilespmem:s30], [sflag:$0x1], $0x80, v3, vm0, $0xb8;
	[tilespmem:$0x10200] =	vst v63  }
0xd2: {  	s31 =	simm.s32 $0xF000  }
0xd3: {  	[hbm4b:s5+s2] =	stream.indirect_vreg.scatter [tilespmem:s31], [sflag:$0x1], $0x80, v3, vm0, $0xb8;
	[tilespmem:$0x10200] =	vst v63  }
0xd4: {  	s17 =	simm.s32 $0xF800  }
0xd5: {  	[hbm4b:s6+s2] =	stream.indirect_vreg.scatter [tilespmem:s17], [sflag:$0x1], $0x80, v3, vm0, $0xb8;
	[tilespmem:$0x10200] =	vst v63  }
0xd6: {  	_ =	swait.ge [sflag:s16], $0x10000  }
0xd7: {  	[sflag:s16] =	ssyncset.done $0x0  }
0xd8: {  	[sflag:s16] =	ssyncadd.s32 $0xFFFF0000  }
0xd9: {  	_ =	swait.ge [sflag:s16], $0x10000  }
0xda: {  	[sflag:s16] =	ssyncset.done $0x0  }
0xdb: {  	s29 =	rddreg [dreg:$0x8];
	[sflag:s16] =	ssyncadd.s32 $0xFFFF0000  }
0xdc: {  	[tilespmem:s2], [sflag:$0x2] =	stream.linear.gather [hbm4b:s29+s2], $0x10000, $0x38;
	[tilespmem:$0x10200] =	vst v63  }
0xdd: {  	_ =	swait.ge [sflag:s8], $0x10000  }
0xde: {  	[sflag:s8] =	ssyncset.done $0x0  }
0xdf: {  	[sflag:s8] =	ssyncadd.s32 $0xFFFF0000  }
0xe0: {  	v3 =	vld [tilespmem:$0x10100];
	_ =	sdelay $0x4  }
0xe1: {  	v56 =	vshll.u32 v3, $0x3  }
0xe2: {  	v3 =	vand.u32 $0x7, v3;
	v4 =	vand.u32 $0xFFFFFFC0, v56  }
0xe3: {  	v3 =	vor.u32 v3, v4  }
0xe4: {  	v4 =	vperm.xlane v3, v0;
	_ =	sdelay $0x1  }
0xe5: {  	v4 =	vadd.s32 v1, v4;
	_ =	sdelay $0x4  }
0xe6: {  	[hbm4b:s3+s2] =	stream.indirect_vreg.scatter [tilespmem:s2], [sflag:$0x1], $0x80, v4, vm0, $0xb8;
	[tilespmem:$0x10200] =	vst v63  }
0xe7: {  	s30 =	simm.s32 $0x800;
	v3 =	vperm.xlane v3, v2  }
0xe8: {  	[hbm4b:s4+s2] =	stream.indirect_vreg.scatter [tilespmem:s30], [sflag:$0x1], $0x80, v4, vm0, $0xb8;
	[tilespmem:$0x10200] =	vst v63  }
0xe9: {  	s31 =	simm.s32 $0x1000;
	v3 =	vadd.s32 v1, v3  }
0xea: {  	[hbm4b:s5+s2] =	stream.indirect_vreg.scatter [tilespmem:s31], [sflag:$0x1], $0x80, v4, vm0, $0xb8;
	[tilespmem:$0x10200] =	vst v63  }
0xeb: {  	s24 =	simm.s32 $0x1800  }
0xec: {  	[hbm4b:s6+s2] =	stream.indirect_vreg.scatter [tilespmem:s24], [sflag:$0x1], $0x80, v4, vm0, $0xb8;
	[tilespmem:$0x10200] =	vst v63  }
0xed: {  	s29 =	simm.s32 $0x2000  }
0xee: {  	[hbm4b:s3+s2] =	stream.indirect_vreg.scatter [tilespmem:s29], [sflag:$0x1], $0x80, v3, vm0, $0xb8;
	[tilespmem:$0x10200] =	vst v63  }
0xef: {  	s31 =	simm.s32 $0x2800  }
0xf0: {  	[hbm4b:s4+s2] =	stream.indirect_vreg.scatter [tilespmem:s31], [sflag:$0x1], $0x80, v3, vm0, $0xb8;
	[tilespmem:$0x10200] =	vst v63  }
0xf1: {  	s29 =	simm.s32 $0x3000  }
0xf2: {  	[hbm4b:s5+s2] =	stream.indirect_vreg.scatter [tilespmem:s29], [sflag:$0x1], $0x80, v3, vm0, $0xb8;
	[tilespmem:$0x10200] =	vst v63  }
0xf3: {  	s31 =	simm.s32 $0x3800  }
0xf4: {  	[hbm4b:s6+s2] =	stream.indirect_vreg.scatter [tilespmem:s31], [sflag:$0x1], $0x80, v3, vm0, $0xb8;
	[tilespmem:$0x10200] =	vst v63  }
0xf5: {  	v3 =	vld [tilespmem:$0x10110];
	_ =	sdelay $0x4  }
0xf6: {  	v57 =	vshll.u32 v3, $0x3  }
0xf7: {  	v3 =	vand.u32 $0x7, v3;
	v4 =	vand.u32 $0xFFFFFFC0, v57  }
0xf8: {  	v3 =	vor.u32 v3, v4  }
0xf9: {  	v4 =	vperm.xlane v3, v0;
	_ =	sdelay $0x1  }
0xfa: {  	v4 =	vadd.s32 v1, v4;
	_ =	sdelay $0x4  }
0xfb: {  	[hbm4b:s3+s2] =	stream.indirect_vreg.scatter [tilespmem:s15], [sflag:$0x1], $0x80, v4, vm0, $0xb8;
	[tilespmem:$0x10200] =	vst v63  }
0xfc: {  	v3 =	vperm.xlane v3, v2  }
0xfd: {  	[hbm4b:s4+s2] =	stream.indirect_vreg.scatter [tilespmem:s18], [sflag:$0x1], $0x80, v4, vm0, $0xb8;
	[tilespmem:$0x10200] =	vst v63  }
0xfe: {  	v3 =	vadd.s32 v1, v3  }
0xff: {  	[hbm4b:s5+s2] =	stream.indirect_vreg.scatter [tilespmem:s19], [sflag:$0x1], $0x80, v4, vm0, $0xb8;
	[tilespmem:$0x10200] =	vst v63  }
0x100: {  	_ = 	snop  }
0x101: {  	[hbm4b:s6+s2] =	stream.indirect_vreg.scatter [tilespmem:s20], [sflag:$0x1], $0x80, v4, vm0, $0xb8;
	[tilespmem:$0x10200] =	vst v63  }
0x102: {  	_ = 	snop  }
0x103: {  	[hbm4b:s3+s2] =	stream.indirect_vreg.scatter [tilespmem:s21], [sflag:$0x1], $0x80, v3, vm0, $0xb8;
	[tilespmem:$0x10200] =	vst v63  }
0x104: {  	_ = 	snop  }
0x105: {  	[hbm4b:s4+s2] =	stream.indirect_vreg.scatter [tilespmem:s22], [sflag:$0x1], $0x80, v3, vm0, $0xb8;
	[tilespmem:$0x10200] =	vst v63  }
0x106: {  	_ = 	snop  }
0x107: {  	[hbm4b:s5+s2] =	stream.indirect_vreg.scatter [tilespmem:s0], [sflag:$0x1], $0x80, v3, vm0, $0xb8;
	[tilespmem:$0x10200] =	vst v63  }
0x108: {  	_ = 	snop  }
0x109: {  	[hbm4b:s6+s2] =	stream.indirect_vreg.scatter [tilespmem:s12], [sflag:$0x1], $0x80, v3, vm0, $0xb8;
	[tilespmem:$0x10200] =	vst v63  }
0x10a: {  	v3 =	vld [tilespmem:$0x10120];
	_ =	sdelay $0x4  }
0x10b: {  	v58 =	vshll.u32 v3, $0x3  }
0x10c: {  	v3 =	vand.u32 $0x7, v3;
	v4 =	vand.u32 $0xFFFFFFC0, v58  }
0x10d: {  	v3 =	vor.u32 v3, v4  }
0x10e: {  	v4 =	vperm.xlane v3, v0;
	_ =	sdelay $0x1  }
0x10f: {  	v4 =	vadd.s32 v1, v4;
	_ =	sdelay $0x4  }
0x110: {  	[hbm4b:s3+s2] =	stream.indirect_vreg.scatter [tilespmem:s13], [sflag:$0x1], $0x80, v4, vm0, $0xb8;
	[tilespmem:$0x10200] =	vst v63  }
0x111: {  	v3 =	vperm.xlane v3, v2  }
0x112: {  	[hbm4b:s4+s2] =	stream.indirect_vreg.scatter [tilespmem:s14], [sflag:$0x1], $0x80, v4, vm0, $0xb8;
	[tilespmem:$0x10200] =	vst v63  }
0x113: {  	v3 =	vadd.s32 v1, v3  }
0x114: {  	[hbm4b:s5+s2] =	stream.indirect_vreg.scatter [tilespmem:s1], [sflag:$0x1], $0x80, v4, vm0, $0xb8;
	[tilespmem:$0x10200] =	vst v63  }
0x115: {  	_ = 	snop  }
0x116: {  	[hbm4b:s6+s2] =	stream.indirect_vreg.scatter [tilespmem:s9], [sflag:$0x1], $0x80, v4, vm0, $0xb8;
	[tilespmem:$0x10200] =	vst v63  }
0x117: {  	_ = 	snop  }
0x118: {  	[hbm4b:s3+s2] =	stream.indirect_vreg.scatter [tilespmem:s10], [sflag:$0x1], $0x80, v3, vm0, $0xb8;
	[tilespmem:$0x10200] =	vst v63  }
0x119: {  	_ = 	snop  }
0x11a: {  	[hbm4b:s4+s2] =	stream.indirect_vreg.scatter [tilespmem:s11], [sflag:$0x1], $0x80, v3, vm0, $0xb8;
	[tilespmem:$0x10200] =	vst v63  }
0x11b: {  	s0 =	simm.s32 $0xB000  }
0x11c: {  	[hbm4b:s5+s2] =	stream.indirect_vreg.scatter [tilespmem:s0], [sflag:$0x1], $0x80, v3, vm0, $0xb8;
	[tilespmem:$0x10200] =	vst v63  }
0x11d: {  	s23 =	simm.s32 $0xB800  }
0x11e: {  	[hbm4b:s6+s2] =	stream.indirect_vreg.scatter [tilespmem:s23], [sflag:$0x1], $0x80, v3, vm0, $0xb8;
	[tilespmem:$0x10200] =	vst v63  }
0x11f: {  	v3 =	vld [tilespmem:$0x10130];
	_ =	sdelay $0x4  }
0x120: {  	v59 =	vshll.u32 v3, $0x3  }
0x121: {  	v3 =	vand.u32 $0x7, v3;
	v4 =	vand.u32 $0xFFFFFFC0, v59  }
0x122: {  	v3 =	vor.u32 v3, v4  }
0x123: {  	v4 =	vperm.xlane v3, v0;
	_ =	sdelay $0x1  }
0x124: {  	v4 =	vadd.s32 v1, v4;
	_ =	sdelay $0x3  }
0x125: {  	s1 =	simm.s32 $0xC000  }
0x126: {  	[hbm4b:s3+s2] =	stream.indirect_vreg.scatter [tilespmem:s1], [sflag:$0x1], $0x80, v4, vm0, $0xb8;
	[tilespmem:$0x10200] =	vst v63  }
0x127: {  	s31 =	simm.s32 $0xC800;
	v3 =	vperm.xlane v3, v2  }
0x128: {  	[hbm4b:s4+s2] =	stream.indirect_vreg.scatter [tilespmem:s31], [sflag:$0x1], $0x80, v4, vm0, $0xb8;
	[tilespmem:$0x10200] =	vst v63  }
0x129: {  	s17 =	simm.s32 $0xD000;
	v3 =	vadd.s32 v1, v3  }
0x12a: {  	[hbm4b:s5+s2] =	stream.indirect_vreg.scatter [tilespmem:s17], [sflag:$0x1], $0x80, v4, vm0, $0xb8;
	[tilespmem:$0x10200] =	vst v63  }
0x12b: {  	s0 =	simm.s32 $0xD800  }
0x12c: {  	[hbm4b:s6+s2] =	stream.indirect_vreg.scatter [tilespmem:s0], [sflag:$0x1], $0x80, v4, vm0, $0xb8;
	[tilespmem:$0x10200] =	vst v63  }
0x12d: {  	s26 =	simm.s32 $0xE000  }
0x12e: {  	[hbm4b:s3+s2] =	stream.indirect_vreg.scatter [tilespmem:s26], [sflag:$0x1], $0x80, v3, vm0, $0xb8;
	[tilespmem:$0x10200] =	vst v63  }
0x12f: {  	s28 =	simm.s32 $0xE800  }
0x130: {  	[hbm4b:s4+s2] =	stream.indirect_vreg.scatter [tilespmem:s28], [sflag:$0x1], $0x80, v3, vm0, $0xb8;
	[tilespmem:$0x10200] =	vst v63  }
0x131: {  	s25 =	simm.s32 $0xF000  }
0x132: {  	[hbm4b:s5+s2] =	stream.indirect_vreg.scatter [tilespmem:s25], [sflag:$0x1], $0x80, v3, vm0, $0xb8;
	[tilespmem:$0x10200] =	vst v63  }
0x133: {  	s0 =	simm.s32 $0xF800  }
0x134: {  	[hbm4b:s6+s2] =	stream.indirect_vreg.scatter [tilespmem:s0], [sflag:$0x1], $0x80, v3, vm0, $0xb8;
	[tilespmem:$0x10200] =	vst v63  }
0x135: {  	v3 =	vld [tilespmem:$0x10180];
	_ =	sdelay $0x4  }
0x136: {  	v60 =	vshll.u32 v3, $0x3  }
0x137: {  	v3 =	vand.u32 $0x7, v3;
	v4 =	vand.u32 $0xFFFFFFC0, v60  }
0x138: {  	v3 =	vor.u32 v3, v4  }
0x139: {  	v4 =	vperm.xlane v3, v0;
	_ =	sdelay $0x1  }
0x13a: {  	v4 =	vadd.s32 v1, v4;
	_ =	sdelay $0x4  }
0x13b: {  	[hbm4b:s3+s2] =	stream.indirect_vreg.scatter [tilespmem:s2], [sflag:$0x1], $0x80, v4, vm0, $0xb8;
	[tilespmem:$0x10200] =	vst v63  }
0x13c: {  	s1 =	simm.s32 $0x800;
	v3 =	vperm.xlane v3, v2  }
0x13d: {  	[hbm4b:s4+s2] =	stream.indirect_vreg.scatter [tilespmem:s1], [sflag:$0x1], $0x80, v4, vm0, $0xb8;
	[tilespmem:$0x10200] =	vst v63  }
0x13e: {  	s30 =	simm.s32 $0x1000;
	v3 =	vadd.s32 v1, v3  }
0x13f: {  	[hbm4b:s5+s2] =	stream.indirect_vreg.scatter [tilespmem:s30], [sflag:$0x1], $0x80, v4, vm0, $0xb8;
	[tilespmem:$0x10200] =	vst v63  }
0x140: {  	s24 =	simm.s32 $0x1800  }
0x141: {  	[hbm4b:s6+s2] =	stream.indirect_vreg.scatter [tilespmem:s24], [sflag:$0x1], $0x80, v4, vm0, $0xb8;
	[tilespmem:$0x10200] =	vst v63  }
0x142: {  	s1 =	simm.s32 $0x2000  }
0x143: {  	[hbm4b:s3+s2] =	stream.indirect_vreg.scatter [tilespmem:s1], [sflag:$0x1], $0x80, v3, vm0, $0xb8;
	[tilespmem:$0x10200] =	vst v63  }
0x144: {  	s30 =	simm.s32 $0x2800  }
0x145: {  	[hbm4b:s4+s2] =	stream.indirect_vreg.scatter [tilespmem:s30], [sflag:$0x1], $0x80, v3, vm0, $0xb8;
	[tilespmem:$0x10200] =	vst v63  }
0x146: {  	s1 =	simm.s32 $0x3000  }
0x147: {  	[hbm4b:s5+s2] =	stream.indirect_vreg.scatter [tilespmem:s1], [sflag:$0x1], $0x80, v3, vm0, $0xb8;
	[tilespmem:$0x10200] =	vst v63  }
0x148: {  	s30 =	simm.s32 $0x3800  }
0x149: {  	[hbm4b:s6+s2] =	stream.indirect_vreg.scatter [tilespmem:s30], [sflag:$0x1], $0x80, v3, vm0, $0xb8;
	[tilespmem:$0x10200] =	vst v63  }
0x14a: {  	v3 =	vld [tilespmem:$0x10190];
	_ =	sdelay $0x4  }
0x14b: {  	v61 =	vshll.u32 v3, $0x3  }
0x14c: {  	v3 =	vand.u32 $0x7, v3;
	v4 =	vand.u32 $0xFFFFFFC0, v61  }
0x14d: {  	v3 =	vor.u32 v3, v4  }
0x14e: {  	v4 =	vperm.xlane v3, v0;
	_ =	sdelay $0x1  }
0x14f: {  	v4 =	vadd.s32 v1, v4;
	_ =	sdelay $0x3  }
0x150: {  	s15 =	simm.s32 $0x4000  }
0x151: {  	[hbm4b:s3+s2] =	stream.indirect_vreg.scatter [tilespmem:s15], [sflag:$0x1], $0x80, v4, vm0, $0xb8;
	[tilespmem:$0x10200] =	vst v63  }
0x152: {  	s18 =	simm.s32 $0x4800;
	v3 =	vperm.xlane v3, v2  }
0x153: {  	[hbm4b:s4+s2] =	stream.indirect_vreg.scatter [tilespmem:s18], [sflag:$0x1], $0x80, v4, vm0, $0xb8;
	[tilespmem:$0x10200] =	vst v63  }
0x154: {  	s19 =	simm.s32 $0x5000;
	v3 =	vadd.s32 v1, v3  }
0x155: {  	[hbm4b:s5+s2] =	stream.indirect_vreg.scatter [tilespmem:s19], [sflag:$0x1], $0x80, v4, vm0, $0xb8;
	[tilespmem:$0x10200] =	vst v63  }
0x156: {  	s20 =	simm.s32 $0x5800  }
0x157: {  	[hbm4b:s6+s2] =	stream.indirect_vreg.scatter [tilespmem:s20], [sflag:$0x1], $0x80, v4, vm0, $0xb8;
	[tilespmem:$0x10200] =	vst v63  }
0x158: {  	s21 =	simm.s32 $0x6000  }
0x159: {  	[hbm4b:s3+s2] =	stream.indirect_vreg.scatter [tilespmem:s21], [sflag:$0x1], $0x80, v3, vm0, $0xb8;
	[tilespmem:$0x10200] =	vst v63  }
0x15a: {  	s22 =	simm.s32 $0x6800  }
0x15b: {  	[hbm4b:s4+s2] =	stream.indirect_vreg.scatter [tilespmem:s22], [sflag:$0x1], $0x80, v3, vm0, $0xb8;
	[tilespmem:$0x10200] =	vst v63  }
0x15c: {  	s22 =	simm.s32 $0x7000  }
0x15d: {  	[hbm4b:s5+s2] =	stream.indirect_vreg.scatter [tilespmem:s22], [sflag:$0x1], $0x80, v3, vm0, $0xb8;
	[tilespmem:$0x10200] =	vst v63  }
0x15e: {  	s12 =	simm.s32 $0x7800  }
0x15f: {  	[hbm4b:s6+s2] =	stream.indirect_vreg.scatter [tilespmem:s12], [sflag:$0x1], $0x80, v3, vm0, $0xb8;
	[tilespmem:$0x10200] =	vst v63  }
0x160: {  	v3 =	vld [tilespmem:$0x101A0];
	_ =	sdelay $0x4  }
0x161: {  	v62 =	vshll.u32 v3, $0x3  }
0x162: {  	v3 =	vand.u32 $0x7, v3;
	v4 =	vand.u32 $0xFFFFFFC0, v62  }
0x163: {  	v3 =	vor.u32 v3, v4  }
0x164: {  	v4 =	vperm.xlane v3, v0;
	_ =	sdelay $0x1  }
0x165: {  	v4 =	vadd.s32 v1, v4;
	_ =	sdelay $0x3  }
0x166: {  	s13 =	simm.s32 $0x8000  }
0x167: {  	[hbm4b:s3+s2] =	stream.indirect_vreg.scatter [tilespmem:s13], [sflag:$0x1], $0x80, v4, vm0, $0xb8;
	[tilespmem:$0x10200] =	vst v63  }
0x168: {  	s14 =	simm.s32 $0x8800;
	v3 =	vperm.xlane v3, v2  }
0x169: {  	[hbm4b:s4+s2] =	stream.indirect_vreg.scatter [tilespmem:s14], [sflag:$0x1], $0x80, v4, vm0, $0xb8;
	[tilespmem:$0x10200] =	vst v63  }
0x16a: {  	s24 =	simm.s32 $0x9000;
	v3 =	vadd.s32 v1, v3  }
0x16b: {  	[hbm4b:s5+s2] =	stream.indirect_vreg.scatter [tilespmem:s24], [sflag:$0x1], $0x80, v4, vm0, $0xb8;
	[tilespmem:$0x10200] =	vst v63  }
0x16c: {  	s9 =	simm.s32 $0x9800  }
0x16d: {  	[hbm4b:s6+s2] =	stream.indirect_vreg.scatter [tilespmem:s9], [sflag:$0x1], $0x80, v4, vm0, $0xb8;
	[tilespmem:$0x10200] =	vst v63  }
0x16e: {  	s10 =	simm.s32 $0xA000  }
0x16f: {  	[hbm4b:s3+s2] =	stream.indirect_vreg.scatter [tilespmem:s10], [sflag:$0x1], $0x80, v3, vm0, $0xb8;
	[tilespmem:$0x10200] =	vst v63  }
0x170: {  	s11 =	simm.s32 $0xA800  }
0x171: {  	[hbm4b:s4+s2] =	stream.indirect_vreg.scatter [tilespmem:s11], [sflag:$0x1], $0x80, v3, vm0, $0xb8;
	[tilespmem:$0x10200] =	vst v63  }
0x172: {  	s29 =	simm.s32 $0xB000  }
0x173: {  	[hbm4b:s5+s2] =	stream.indirect_vreg.scatter [tilespmem:s29], [sflag:$0x1], $0x80, v3, vm0, $0xb8;
	[tilespmem:$0x10200] =	vst v63  }
0x174: {  	s23 =	simm.s32 $0xB800  }
0x175: {  	[hbm4b:s6+s2] =	stream.indirect_vreg.scatter [tilespmem:s23], [sflag:$0x1], $0x80, v3, vm0, $0xb8;
	[tilespmem:$0x10200] =	vst v63  }
0x176: {  	v3 =	vld [tilespmem:$0x101B0];
	_ =	sdelay $0x4  }
0x177: {  	v63 =	vshll.u32 v3, $0x3  }
0x178: {  	v3 =	vand.u32 $0x7, v3;
	v4 =	vand.u32 $0xFFFFFFC0, v63  }
0x179: {  	v3 =	vor.u32 v3, v4  }
0x17a: {  	v4 =	vperm.xlane v3, v0;
	_ =	sdelay $0x1  }
0x17b: {  	v4 =	vadd.s32 v1, v4;
	_ =	sdelay $0x3  }
0x17c: {  	s29 =	simm.s32 $0xC000  }
0x17d: {  	[hbm4b:s3+s2] =	stream.indirect_vreg.scatter [tilespmem:s29], [sflag:$0x1], $0x80, v4, vm0, $0xb8;
	[tilespmem:$0x10200] =	vst v63  }
0x17e: {  	s30 =	simm.s32 $0xC800;
	v3 =	vperm.xlane v3, v2  }
0x17f: {  	[hbm4b:s4+s2] =	stream.indirect_vreg.scatter [tilespmem:s30], [sflag:$0x1], $0x80, v4, vm0, $0xb8;
	[tilespmem:$0x10200] =	vst v63  }
0x180: {  	v3 =	vadd.s32 v1, v3  }
0x181: {  	[hbm4b:s5+s2] =	stream.indirect_vreg.scatter [tilespmem:s17], [sflag:$0x1], $0x80, v4, vm0, $0xb8;
	[tilespmem:$0x10200] =	vst v63  }
0x182: {  	s31 =	simm.s32 $0xD800  }
0x183: {  	[hbm4b:s6+s2] =	stream.indirect_vreg.scatter [tilespmem:s31], [sflag:$0x1], $0x80, v4, vm0, $0xb8;
	[tilespmem:$0x10200] =	vst v63  }
0x184: {  	s26 =	simm.s32 $0xE000  }
0x185: {  	[hbm4b:s3+s2] =	stream.indirect_vreg.scatter [tilespmem:s26], [sflag:$0x1], $0x80, v3, vm0, $0xb8;
	[tilespmem:$0x10200] =	vst v63  }
0x186: {  	s28 =	simm.s32 $0xE800  }
0x187: {  	[hbm4b:s4+s2] =	stream.indirect_vreg.scatter [tilespmem:s28], [sflag:$0x1], $0x80, v3, vm0, $0xb8;
	[tilespmem:$0x10200] =	vst v63  }
0x188: {  	s25 =	simm.s32 $0xF000  }
0x189: {  	[hbm4b:s5+s2] =	stream.indirect_vreg.scatter [tilespmem:s25], [sflag:$0x1], $0x80, v3, vm0, $0xb8;
	[tilespmem:$0x10200] =	vst v63  }
0x18a: {  	_ = 	snop  }
0x18b: {  	[hbm4b:s6+s2] =	stream.indirect_vreg.scatter [tilespmem:s0], [sflag:$0x1], $0x80, v3, vm0, $0xb8;
	[tilespmem:$0x10200] =	vst v63  }
0x18c: {  	p0 =	sne.s32 s7, $0x1;
	_ =	swait.ge [sflag:s16], $0x10000  }
.Ltmp0:
0x18d: {  	[sflag:s16] =	ssyncset.done $0x0;
	(pc) =	sbr.rel @p0 .LBB2_1-.Ltmp0, $4  }
0x18e: {  	[sflag:s16] =	ssyncadd.s32 $0xFFFF0000  }
0x18f: {  	_ =	swait.ge [sflag:s16], $0x10000  }
0x190: {  	[sflag:s16] =	ssyncset.done $0x0  }
0x191: {  	s7 =	sadd.s32 $0xFFFFFFFF, s7;
	[sflag:s16] =	ssyncadd.s32 $0xFFFF0000  }
0x192: {  	_ =	sfence.sel $0x180000  }
0x193: {  	[bflag:$0x0] =	sbarrier.arrive $0xFFFF  }
0x194: {  	_ =	strace $0x90000047  }
0x195: {  	s0 =	stileid.u32;
	[bflag:$0x2] =	sbarrier.arrive $0xFFFF  }
0x196: {  	p0 =	sne.s32 s0, $0x0;
	s0 =	rddreg [dreg:$0x2]  }
0x197: {  	s0 =	sadd.s32 @!p0 $0x100000, s0  }
0x198: {  	[sflag:s0] =	ssyncadd.tile.s32 @!p0 $0x1;
	_ =	shalt  }
.Lfunc_end2:
_tile_overlayer_lowered:
.L_overlay_start_2:
0x199: {  	(tag) =	ssettag $0x2  }
0x19a: {  	s0 =	rddreg [dreg:$0x0];
	s2 =	stileid.u32  }
0x19b: {  	s1 =	rddreg [dreg:$0x1];
	p0 =	sne.s32 s2, $0x0  }
0x19c: {  	s3 =	rddreg [dreg:$0x2];
	[bflag:$0x3] =	sbarrier.arrive $0xFFFF;
	s2 =	simm.s32 @!p0 $0x1C02  }
0x19d: {  	[timem:s3], [sflag:s2] =	dma.local @!p0 [hbm:s0], s1  }
0x19e: {  	s0 =	simm.s32 @!p0 $0x2  }
0x19f: {  	_ =	swait.ge @!p0 [sflag:s0], s1  }
0x1a0: {  	s1 =	ssub.s32 @!p0 $0x0, s1;
	[sflag:s0] =	ssyncset.done @!p0 $0x0  }
0x1a1: {  	[sflag:s0] =	ssyncadd.s32 @!p0 s1  }
0x1a2: {  	[bflag:$0x3] =	sbarrier.arrive $0xFFFF  }
0x1a3: {  	_ =	shalt  }

</sc_bundles>
